<compile_context>
chip_gen: v7x
topology: tpu7x:2x2x1
jax: 0.10.2.dev20260603
libtpu: 0.0.44.dev20260713+nightly
codegen_flags: <defaults>
</compile_context>

<pallas_src>
import jax
import jax.numpy as jnp
from jax import lax
from jax.experimental import pallas as pl
from jax.experimental.pallas import tpu as pltpu
from jax.experimental.pallas import tpu_sc as plsc

NC = 2
NS = 16
NW = NC * NS
L = 16

E = 320000
D = 128
EPW = E // NW
C = 80
NCHUNK = EPW // C


def _dot_group(rows0, rows1, g):
    lane = lax.iota(jnp.int32, L)
    rowidx = g * L + lane
    zero = jnp.zeros((L,), jnp.float32)

    @plsc.parallel_loop(0, D, step=4, unroll=4, carry=(zero, zero, zero, zero))
    def fbody(f, accs):
        out = []
        for u in range(4):
            colf = (lane + (f + u)) & (D - 1)
            a = plsc.load_gather(rows0, [rowidx, colf])
            b = plsc.load_gather(rows1, [rowidx, colf])
            out.append(accs[u] + a * b)
        return tuple(out)

    accs = fbody
    return (accs[0] + accs[1]) + (accs[2] + accs[3])


def _sigmoid(x):
    en = jnp.exp(-jnp.abs(x))
    r = 1.0 / (1.0 + en)
    return jnp.where(x >= 0.0, r, en * r)


def _sc_body(e0_hbm, e1_hbm, z_hbm, out_hbm,
             idx0_v, idx1_v, r0a, r1a, r0b, r1b, r0c, r1c, dots_v,
             s0a, s1a, s0b, s1b, s0c, s1c):
    cid = lax.axis_index("c")
    sid = lax.axis_index("s")
    wid = sid * NC + cid

    pltpu.sync_copy(e0_hbm.at[wid], idx0_v)
    pltpu.sync_copy(e1_hbm.at[wid], idx1_v)

    def issue(i, r0, r1, sem0, sem1):
        pltpu.async_copy(z_hbm.at[idx0_v.at[i]], r0, sem0)
        pltpu.async_copy(z_hbm.at[idx1_v.at[i]], r1, sem1)

    def wait(r0, r1, sem0, sem1):
        pltpu.make_async_copy(z_hbm.at[idx0_v.at[0]], r0, sem0).wait()
        pltpu.make_async_copy(z_hbm.at[idx1_v.at[0]], r1, sem1).wait()

    def compute(i, rows0, rows1):
        def group_body(g, carry):
            dots = _dot_group(rows0, rows1, g)
            dots_v[pl.ds(i * C + g * L, L)] = _sigmoid(dots)
            return carry
        lax.fori_loop(0, C // L, group_body, 0)

    bufs = ((r0a, r1a, s0a, s1a), (r0b, r1b, s0b, s1b), (r0c, r1c, s0c, s1c))
    for b in range(3):
        issue(b, *bufs[b])

    def ring_body(j, carry):
        for b in range(3):
            i = 3 * j + b
            wait(*bufs[b])
            compute(i, bufs[b][0], bufs[b][1])

            @pl.when(i + 3 < NCHUNK)
            def _():
                issue(i + 3, *bufs[b])
        return carry

    lax.fori_loop(0, NCHUNK // 3, ring_body, 0)
    for b in range(NCHUNK % 3):
        i = (NCHUNK // 3) * 3 + b
        wait(*bufs[b])
        compute(i, bufs[b][0], bufs[b][1])

    pltpu.sync_copy(dots_v, out_hbm.at[pl.ds(wid * EPW, EPW)])


@jax.jit
def _mp_sc(e0, e1, z):
    kern = pl.kernel(
        _sc_body,
        out_type=jax.ShapeDtypeStruct((E,), jnp.float32),
        mesh=plsc.VectorSubcoreMesh(core_axis_name="c", subcore_axis_name="s",
                                    num_cores=NC, num_subcores=NS),
        scratch_types=[
            pltpu.VMEM((NCHUNK, C), jnp.int32),
            pltpu.VMEM((NCHUNK, C), jnp.int32),
            pltpu.VMEM((C, D), jnp.float32),
            pltpu.VMEM((C, D), jnp.float32),
            pltpu.VMEM((C, D), jnp.float32),
            pltpu.VMEM((C, D), jnp.float32),
            pltpu.VMEM((C, D), jnp.float32),
            pltpu.VMEM((C, D), jnp.float32),
            pltpu.VMEM((EPW,), jnp.float32),
            pltpu.SemaphoreType.DMA,
            pltpu.SemaphoreType.DMA,
            pltpu.SemaphoreType.DMA,
            pltpu.SemaphoreType.DMA,
            pltpu.SemaphoreType.DMA,
            pltpu.SemaphoreType.DMA,
        ],
        compiler_params=pltpu.CompilerParams(needs_layout_passes=False),
    )
    return kern(e0, e1, z)


def kernel(z, e):
    e = e.astype(jnp.int32)
    e0 = e[0].reshape(NW, NCHUNK, C)
    e1 = e[1].reshape(NW, NCHUNK, C)
    return _mp_sc(e0, e1, z)

# --- scband reference (transcript-rebuilt; emitter-appended) ---
"""Pipeline reference for scband-multiply-predictor-30983894073576 (READ-ONLY COPY).

The authoritative reference and input builder live on the scoring server;
editing this copy changes nothing except your own understanding.
"""

import jax, jax.numpy as jnp
import numpy as np


def setup_inputs(seed: int = 0) -> dict:
    key = jax.random.key(seed)
    kz, ke = jax.random.split(key)
    z = jax.random.normal(kz, (10000, 128), dtype=jnp.float32)
    e = jax.random.randint(ke, (2, 320000), 0, 10000, dtype=jnp.int64)
    return {"z": z, "e": e}


def reference(z, e):
    x_i = jnp.take(z, e[0], axis=0)
    x_j = jnp.take(z, e[1], axis=0)
    x = jnp.sum(x_i * x_j, axis=1)
    return jax.nn.sigmoid(x)

if __name__ == "__main__":
    import jax
    _d = setup_inputs()
    print(jax.jit(kernel)(*tuple(_d.values())))

</pallas_src>

<mosaic_0001>
#map = affine_map<(d0, d1) -> (0, 0, 0)>
#map1 = affine_map<(d0, d1) -> (0, 0)>
#map2 = affine_map<(d0, d1) -> (0)>
module attributes {stable_mosaic.version = 14 : i64} {
  func.func @_sc_body(%arg0: i32, %arg1: i32, %arg2: memref<32x125x80xi32, #tpu.memory_space<hbm>>, %arg3: memref<32x125x80xi32, #tpu.memory_space<hbm>>, %arg4: memref<10000x128xf32, #tpu.memory_space<hbm>>, %arg5: memref<320000xf32, #tpu.memory_space<hbm>>, %arg6: memref<125x80xi32, #tpu.memory_space<vmem>>, %arg7: memref<125x80xi32, #tpu.memory_space<vmem>>, %arg8: memref<80x128xf32, #tpu.memory_space<vmem>>, %arg9: memref<80x128xf32, #tpu.memory_space<vmem>>, %arg10: memref<80x128xf32, #tpu.memory_space<vmem>>, %arg11: memref<80x128xf32, #tpu.memory_space<vmem>>, %arg12: memref<80x128xf32, #tpu.memory_space<vmem>>, %arg13: memref<80x128xf32, #tpu.memory_space<vmem>>, %arg14: memref<10000xf32, #tpu.memory_space<vmem>>, %arg15: memref<!tpu.dma_semaphore, #tpu.memory_space<semaphore_mem>>, %arg16: memref<!tpu.dma_semaphore, #tpu.memory_space<semaphore_mem>>, %arg17: memref<!tpu.dma_semaphore, #tpu.memory_space<semaphore_mem>>, %arg18: memref<!tpu.dma_semaphore, #tpu.memory_space<semaphore_mem>>, %arg19: memref<!tpu.dma_semaphore, #tpu.memory_space<semaphore_mem>>, %arg20: memref<!tpu.dma_semaphore, #tpu.memory_space<semaphore_mem>>) attributes {dimension_semantics = [#tpu.dimension_semantics<core_parallel>, #tpu.dimension_semantics<subcore_parallel>], iteration_bounds = array<i64: 2, 16>, scalar_prefetch = 0 : i64, scratch_operands = 15 : i64, tpu.core_type = #tpu.core_type<sc_vector_subcore>, window_params = [{transform_indices = #map}, {transform_indices = #map}, {transform_indices = #map1}, {transform_indices = #map2}]} {
    %mul3A = arith.constant 2 : i32
    %mul3A_0 = arith.muli %arg1, %mul3A : i32
    %add3A = arith.addi %mul3A_0, %arg0 : i32
    "tpu.region"() ({
      %run_scoped3A = tpu.sem_alloc : memref<!tpu.dma_semaphore, #tpu.memory_space<semaphore_mem>>
      %dma_start3A_88 = arith.constant 0 : i32
      %dma_start3A_89 = arith.constant 0 : i32
      %dma_start3A_90 = tpu.memref_slice %arg2[%add3A, %dma_start3A_88, %dma_start3A_89] : memref<32x125x80xi32, #tpu.memory_space<hbm>> -> memref<1x125x80xi32, #tpu.memory_space<hbm>>
      %dma_start3A_91 = tpu.memref_squeeze %dma_start3A_90 : memref<1x125x80xi32, #tpu.memory_space<hbm>> -> memref<125x80xi32, #tpu.memory_space<hbm>>
      %dma_start3A_92 = arith.constant 0 : i32
      %dma_start3A_93 = arith.constant 0 : i32
      %dma_start3A_94 = tpu.memref_slice %arg2[%add3A, %dma_start3A_92, %dma_start3A_93] : memref<32x125x80xi32, #tpu.memory_space<hbm>> -> memref<1x125x80xi32, #tpu.memory_space<hbm>>
      %dma_start3A_95 = tpu.memref_squeeze %dma_start3A_94 : memref<1x125x80xi32, #tpu.memory_space<hbm>> -> memref<125x80xi32, #tpu.memory_space<hbm>>
      tpu.enqueue_dma source(%dma_start3A_95 : memref<125x80xi32, #tpu.memory_space<hbm>>) target(%arg6 : memref<125x80xi32, #tpu.memory_space<vmem>>) target_semaphore(%run_scoped3A : memref<!tpu.dma_semaphore, #tpu.memory_space<semaphore_mem>>)
      %dma_wait3A_96 = arith.constant 0 : i32
      %dma_wait3A_97 = arith.constant 0 : i32
      %dma_wait3A_98 = tpu.memref_slice %arg2[%add3A, %dma_wait3A_96, %dma_wait3A_97] : memref<32x125x80xi32, #tpu.memory_space<hbm>> -> memref<1x125x80xi32, #tpu.memory_space<hbm>>
      %dma_wait3A_99 = tpu.memref_squeeze %dma_wait3A_98 : memref<1x125x80xi32, #tpu.memory_space<hbm>> -> memref<125x80xi32, #tpu.memory_space<hbm>>
      %dma_wait3A_100 = arith.constant 0 : i32
      %dma_wait3A_101 = arith.constant 0 : i32
      %dma_wait3A_102 = tpu.memref_slice %arg2[%add3A, %dma_wait3A_100, %dma_wait3A_101] : memref<32x125x80xi32, #tpu.memory_space<hbm>> -> memref<1x125x80xi32, #tpu.memory_space<hbm>>
      %dma_wait3A_103 = tpu.memref_squeeze %dma_wait3A_102 : memref<1x125x80xi32, #tpu.memory_space<hbm>> -> memref<125x80xi32, #tpu.memory_space<hbm>>
      tpu.wait_dma2 semaphore(%run_scoped3A : memref<!tpu.dma_semaphore, #tpu.memory_space<semaphore_mem>>) src(%dma_wait3A_103 : memref<125x80xi32, #tpu.memory_space<hbm>>) dst(%arg6 : memref<125x80xi32, #tpu.memory_space<vmem>>)
      tpu.yield
    }) : () -> ()
    "tpu.region"() ({
      %run_scoped3A = tpu.sem_alloc : memref<!tpu.dma_semaphore, #tpu.memory_space<semaphore_mem>>
      %dma_start3A_88 = arith.constant 0 : i32
      %dma_start3A_89 = arith.constant 0 : i32
      %dma_start3A_90 = tpu.memref_slice %arg3[%add3A, %dma_start3A_88, %dma_start3A_89] : memref<32x125x80xi32, #tpu.memory_space<hbm>> -> memref<1x125x80xi32, #tpu.memory_space<hbm>>
      %dma_start3A_91 = tpu.memref_squeeze %dma_start3A_90 : memref<1x125x80xi32, #tpu.memory_space<hbm>> -> memref<125x80xi32, #tpu.memory_space<hbm>>
      %dma_start3A_92 = arith.constant 0 : i32
      %dma_start3A_93 = arith.constant 0 : i32
      %dma_start3A_94 = tpu.memref_slice %arg3[%add3A, %dma_start3A_92, %dma_start3A_93] : memref<32x125x80xi32, #tpu.memory_space<hbm>> -> memref<1x125x80xi32, #tpu.memory_space<hbm>>
      %dma_start3A_95 = tpu.memref_squeeze %dma_start3A_94 : memref<1x125x80xi32, #tpu.memory_space<hbm>> -> memref<125x80xi32, #tpu.memory_space<hbm>>
      tpu.enqueue_dma source(%dma_start3A_95 : memref<125x80xi32, #tpu.memory_space<hbm>>) target(%arg7 : memref<125x80xi32, #tpu.memory_space<vmem>>) target_semaphore(%run_scoped3A : memref<!tpu.dma_semaphore, #tpu.memory_space<semaphore_mem>>)
      %dma_wait3A_96 = arith.constant 0 : i32
      %dma_wait3A_97 = arith.constant 0 : i32
      %dma_wait3A_98 = tpu.memref_slice %arg3[%add3A, %dma_wait3A_96, %dma_wait3A_97] : memref<32x125x80xi32, #tpu.memory_space<hbm>> -> memref<1x125x80xi32, #tpu.memory_space<hbm>>
      %dma_wait3A_99 = tpu.memref_squeeze %dma_wait3A_98 : memref<1x125x80xi32, #tpu.memory_space<hbm>> -> memref<125x80xi32, #tpu.memory_space<hbm>>
      %dma_wait3A_100 = arith.constant 0 : i32
      %dma_wait3A_101 = arith.constant 0 : i32
      %dma_wait3A_102 = tpu.memref_slice %arg3[%add3A, %dma_wait3A_100, %dma_wait3A_101] : memref<32x125x80xi32, #tpu.memory_space<hbm>> -> memref<1x125x80xi32, #tpu.memory_space<hbm>>
      %dma_wait3A_103 = tpu.memref_squeeze %dma_wait3A_102 : memref<1x125x80xi32, #tpu.memory_space<hbm>> -> memref<125x80xi32, #tpu.memory_space<hbm>>
      tpu.wait_dma2 semaphore(%run_scoped3A : memref<!tpu.dma_semaphore, #tpu.memory_space<semaphore_mem>>) src(%dma_wait3A_103 : memref<125x80xi32, #tpu.memory_space<hbm>>) dst(%arg7 : memref<125x80xi32, #tpu.memory_space<vmem>>)
      tpu.yield
    }) : () -> ()
    %dma_start3A = arith.constant 0 : i32
    %dma_start3A_1 = arith.constant 0 : i32
    %dma_start3A_2 = tpu.memref_slice %arg6[%dma_start3A, %dma_start3A_1] : memref<125x80xi32, #tpu.memory_space<vmem>> -> memref<1x80xi32, #tpu.memory_space<vmem>>
    %dma_start3A_3 = tpu.memref_squeeze %dma_start3A_2 : memref<1x80xi32, #tpu.memory_space<vmem>> -> memref<80xi32, #tpu.memory_space<vmem>>
    %dma_start3A_4 = arith.constant 0 : i32
    %dma_start3A_5 = arith.constant 0 : i32
    %dma_start3A_6 = tpu.memref_slice %arg4[%dma_start3A_4, %dma_start3A_5] : memref<10000x128xf32, #tpu.memory_space<hbm>> -> memref<10000x128xf32, #tpu.memory_space<hbm>>
    tpu.enqueue_indirect_dma source(%dma_start3A_6 : memref<10000x128xf32, #tpu.memory_space<hbm>>) target(%arg8 : memref<80x128xf32, #tpu.memory_space<vmem>>) offsets(%dma_start3A_3 : memref<80xi32, #tpu.memory_space<vmem>>) semaphore(%arg15 : memref<!tpu.dma_semaphore, #tpu.memory_space<semaphore_mem>>)
    %dma_start3A_7 = arith.constant 0 : i32
    %dma_start3A_8 = arith.constant 0 : i32
    %dma_start3A_9 = tpu.memref_slice %arg7[%dma_start3A_7, %dma_start3A_8] : memref<125x80xi32, #tpu.memory_space<vmem>> -> memref<1x80xi32, #tpu.memory_space<vmem>>
    %dma_start3A_10 = tpu.memref_squeeze %dma_start3A_9 : memref<1x80xi32, #tpu.memory_space<vmem>> -> memref<80xi32, #tpu.memory_space<vmem>>
    %dma_start3A_11 = arith.constant 0 : i32
    %dma_start3A_12 = arith.constant 0 : i32
    %dma_start3A_13 = tpu.memref_slice %arg4[%dma_start3A_11, %dma_start3A_12] : memref<10000x128xf32, #tpu.memory_space<hbm>> -> memref<10000x128xf32, #tpu.memory_space<hbm>>
    tpu.enqueue_indirect_dma source(%dma_start3A_13 : memref<10000x128xf32, #tpu.memory_space<hbm>>) target(%arg9 : memref<80x128xf32, #tpu.memory_space<vmem>>) offsets(%dma_start3A_10 : memref<80xi32, #tpu.memory_space<vmem>>) semaphore(%arg16 : memref<!tpu.dma_semaphore, #tpu.memory_space<semaphore_mem>>)
    %dma_start3A_14 = arith.constant 1 : i32
    %dma_start3A_15 = arith.constant 0 : i32
    %dma_start3A_16 = tpu.memref_slice %arg6[%dma_start3A_14, %dma_start3A_15] : memref<125x80xi32, #tpu.memory_space<vmem>> -> memref<1x80xi32, #tpu.memory_space<vmem>>
    %dma_start3A_17 = tpu.memref_squeeze %dma_start3A_16 : memref<1x80xi32, #tpu.memory_space<vmem>> -> memref<80xi32, #tpu.memory_space<vmem>>
    %dma_start3A_18 = arith.constant 0 : i32
    %dma_start3A_19 = arith.constant 0 : i32
    %dma_start3A_20 = tpu.memref_slice %arg4[%dma_start3A_18, %dma_start3A_19] : memref<10000x128xf32, #tpu.memory_space<hbm>> -> memref<10000x128xf32, #tpu.memory_space<hbm>>
    tpu.enqueue_indirect_dma source(%dma_start3A_20 : memref<10000x128xf32, #tpu.memory_space<hbm>>) target(%arg10 : memref<80x128xf32, #tpu.memory_space<vmem>>) offsets(%dma_start3A_17 : memref<80xi32, #tpu.memory_space<vmem>>) semaphore(%arg17 : memref<!tpu.dma_semaphore, #tpu.memory_space<semaphore_mem>>)
    %dma_start3A_21 = arith.constant 1 : i32
    %dma_start3A_22 = arith.constant 0 : i32
    %dma_start3A_23 = tpu.memref_slice %arg7[%dma_start3A_21, %dma_start3A_22] : memref<125x80xi32, #tpu.memory_space<vmem>> -> memref<1x80xi32, #tpu.memory_space<vmem>>
    %dma_start3A_24 = tpu.memref_squeeze %dma_start3A_23 : memref<1x80xi32, #tpu.memory_space<vmem>> -> memref<80xi32, #tpu.memory_space<vmem>>
    %dma_start3A_25 = arith.constant 0 : i32
    %dma_start3A_26 = arith.constant 0 : i32
    %dma_start3A_27 = tpu.memref_slice %arg4[%dma_start3A_25, %dma_start3A_26] : memref<10000x128xf32, #tpu.memory_space<hbm>> -> memref<10000x128xf32, #tpu.memory_space<hbm>>
    tpu.enqueue_indirect_dma source(%dma_start3A_27 : memref<10000x128xf32, #tpu.memory_space<hbm>>) target(%arg11 : memref<80x128xf32, #tpu.memory_space<vmem>>) offsets(%dma_start3A_24 : memref<80xi32, #tpu.memory_space<vmem>>) semaphore(%arg18 : memref<!tpu.dma_semaphore, #tpu.memory_space<semaphore_mem>>)
    %dma_start3A_28 = arith.constant 2 : i32
    %dma_start3A_29 = arith.constant 0 : i32
    %dma_start3A_30 = tpu.memref_slice %arg6[%dma_start3A_28, %dma_start3A_29] : memref<125x80xi32, #tpu.memory_space<vmem>> -> memref<1x80xi32, #tpu.memory_space<vmem>>
    %dma_start3A_31 = tpu.memref_squeeze %dma_start3A_30 : memref<1x80xi32, #tpu.memory_space<vmem>> -> memref<80xi32, #tpu.memory_space<vmem>>
    %dma_start3A_32 = arith.constant 0 : i32
    %dma_start3A_33 = arith.constant 0 : i32
    %dma_start3A_34 = tpu.memref_slice %arg4[%dma_start3A_32, %dma_start3A_33] : memref<10000x128xf32, #tpu.memory_space<hbm>> -> memref<10000x128xf32, #tpu.memory_space<hbm>>
    tpu.enqueue_indirect_dma source(%dma_start3A_34 : memref<10000x128xf32, #tpu.memory_space<hbm>>) target(%arg12 : memref<80x128xf32, #tpu.memory_space<vmem>>) offsets(%dma_start3A_31 : memref<80xi32, #tpu.memory_space<vmem>>) semaphore(%arg19 : memref<!tpu.dma_semaphore, #tpu.memory_space<semaphore_mem>>)
    %dma_start3A_35 = arith.constant 2 : i32
    %dma_start3A_36 = arith.constant 0 : i32
    %dma_start3A_37 = tpu.memref_slice %arg7[%dma_start3A_35, %dma_start3A_36] : memref<125x80xi32, #tpu.memory_space<vmem>> -> memref<1x80xi32, #tpu.memory_space<vmem>>
    %dma_start3A_38 = tpu.memref_squeeze %dma_start3A_37 : memref<1x80xi32, #tpu.memory_space<vmem>> -> memref<80xi32, #tpu.memory_space<vmem>>
    %dma_start3A_39 = arith.constant 0 : i32
    %dma_start3A_40 = arith.constant 0 : i32
    %dma_start3A_41 = tpu.memref_slice %arg4[%dma_start3A_39, %dma_start3A_40] : memref<10000x128xf32, #tpu.memory_space<hbm>> -> memref<10000x128xf32, #tpu.memory_space<hbm>>
    tpu.enqueue_indirect_dma source(%dma_start3A_41 : memref<10000x128xf32, #tpu.memory_space<hbm>>) target(%arg13 : memref<80x128xf32, #tpu.memory_space<vmem>>) offsets(%dma_start3A_38 : memref<80xi32, #tpu.memory_space<vmem>>) semaphore(%arg20 : memref<!tpu.dma_semaphore, #tpu.memory_space<semaphore_mem>>)
    %scan3A = arith.constant 0 : i32
    %scan3A_42 = arith.constant 0 : i32
    %scan3A_43 = arith.constant 41 : i32
    %scan3A_44 = arith.addi %scan3A_42, %scan3A_43 : i32
    %scan3A_45 = arith.constant 1 : i32
    scf.for %scan3A_88 = %scan3A_42 to %scan3A_44 step %scan3A_45  : i32 {
      %mul3A_89 = arith.constant 3 : i32
      %mul3A_90 = arith.muli %mul3A_89, %scan3A_88 : i32
      %add3A_91 = arith.constant 0 : i32
      %add3A_92 = arith.addi %mul3A_90, %add3A_91 : i32
      %dma_wait3A_93 = arith.constant 0 : i32
      %dma_wait3A_94 = arith.constant 0 : i32
      %dma_wait3A_95 = tpu.memref_slice %arg6[%dma_wait3A_93, %dma_wait3A_94] : memref<125x80xi32, #tpu.memory_space<vmem>> -> memref<1x80xi32, #tpu.memory_space<vmem>>
      %dma_wait3A_96 = tpu.memref_squeeze %dma_wait3A_95 : memref<1x80xi32, #tpu.memory_space<vmem>> -> memref<80xi32, #tpu.memory_space<vmem>>
      %dma_wait3A_97 = arith.constant 0 : i32
      %dma_wait3A_98 = arith.constant 0 : i32
      %dma_wait3A_99 = tpu.memref_slice %arg4[%dma_wait3A_97, %dma_wait3A_98] : memref<10000x128xf32, #tpu.memory_space<hbm>> -> memref<10000x128xf32, #tpu.memory_space<hbm>>
      tpu.wait_indirect_dma semaphore(%arg15 : memref<!tpu.dma_semaphore, #tpu.memory_space<semaphore_mem>>) src(%dma_wait3A_99 : memref<10000x128xf32, #tpu.memory_space<hbm>>) dst(%arg8 : memref<80x128xf32, #tpu.memory_space<vmem>>)
      %dma_wait3A_100 = arith.constant 0 : i32
      %dma_wait3A_101 = arith.constant 0 : i32
      %dma_wait3A_102 = tpu.memref_slice %arg7[%dma_wait3A_100, %dma_wait3A_101] : memref<125x80xi32, #tpu.memory_space<vmem>> -> memref<1x80xi32, #tpu.memory_space<vmem>>
      %dma_wait3A_103 = tpu.memref_squeeze %dma_wait3A_102 : memref<1x80xi32, #tpu.memory_space<vmem>> -> memref<80xi32, #tpu.memory_space<vmem>>
      %dma_wait3A_104 = arith.constant 0 : i32
      %dma_wait3A_105 = arith.constant 0 : i32
      %dma_wait3A_106 = tpu.memref_slice %arg4[%dma_wait3A_104, %dma_wait3A_105] : memref<10000x128xf32, #tpu.memory_space<hbm>> -> memref<10000x128xf32, #tpu.memory_space<hbm>>
      tpu.wait_indirect_dma semaphore(%arg16 : memref<!tpu.dma_semaphore, #tpu.memory_space<semaphore_mem>>) src(%dma_wait3A_106 : memref<10000x128xf32, #tpu.memory_space<hbm>>) dst(%arg9 : memref<80x128xf32, #tpu.memory_space<vmem>>)
      %scan3A_107 = arith.constant 0 : i32
      %scan3A_108 = arith.constant 0 : i32
      %scan3A_109 = arith.constant 5 : i32
      %scan3A_110 = arith.addi %scan3A_108, %scan3A_109 : i32
      %scan3A_111 = arith.constant 1 : i32
      scf.for %scan3A_179 = %scan3A_108 to %scan3A_110 step %scan3A_111  : i32 {
        %iota3A = tpu.iota {dimensions = array<i32: 0>} : vector<16xi32>
        %mul3A_180 = arith.constant 16 : i32
        %mul3A_181 = arith.muli %scan3A_179, %mul3A_180 : i32
        %add3A_182 = vector.broadcast %mul3A_181 : i32 to vector<16xi32>
        %add3A_183 = arith.addi %add3A_182, %iota3A : vector<16xi32>
        %broadcast_in_dim3A = arith.constant 0.000000e+00 : f32
        %broadcast_in_dim3A_184 = vector.broadcast %broadcast_in_dim3A : f32 to vector<16xf32>
        %parallel_loop3A = arith.constant 0 : i32
        %parallel_loop3A_185 = arith.constant 128 : i32
        %parallel_loop3A_186 = arith.constant 4 : i32
        %parallel_loop3A_187:4 = scf.for %parallel_loop3A_207 = %parallel_loop3A to %parallel_loop3A_185 step %parallel_loop3A_186 iter_args(%parallel_loop3A_208 = %broadcast_in_dim3A_184, %parallel_loop3A_209 = %broadcast_in_dim3A_184, %parallel_loop3A_210 = %broadcast_in_dim3A_184, %parallel_loop3A_211 = %broadcast_in_dim3A_184) -> (vector<16xf32>, vector<16xf32>, vector<16xf32>, vector<16xf32>)  : i32 {
          %parallel_loop3A_212 = arith.constant 0 : i32
          %parallel_loop3A_213 = arith.addi %parallel_loop3A_207, %parallel_loop3A_212 : i32
          %parallel_loop3A_214 = vector.broadcast %parallel_loop3A_213 : i32 to vector<16xi32>
          %parallel_loop3A_215 = arith.addi %iota3A, %parallel_loop3A_214 : vector<16xi32>
          %parallel_loop3A_216 = arith.constant 127 : i32
          %parallel_loop3A_217 = vector.broadcast %parallel_loop3A_216 : i32 to vector<16xi32>
          %parallel_loop3A_218 = arith.andi %parallel_loop3A_215, %parallel_loop3A_217 : vector<16xi32>
          %parallel_loop3A_219 = tpu.vector_load_idx %arg8[%add3A_183, %parallel_loop3A_218] : memref<80x128xf32, #tpu.memory_space<vmem>>[vector<16xi32>, vector<16xi32>], vector<16xf32>,
          %parallel_loop3A_220 = tpu.vector_load_idx %arg9[%add3A_183, %parallel_loop3A_218] : memref<80x128xf32, #tpu.memory_space<vmem>>[vector<16xi32>, vector<16xi32>], vector<16xf32>,
          %parallel_loop3A_221 = arith.mulf %parallel_loop3A_219, %parallel_loop3A_220 : vector<16xf32>
          %parallel_loop3A_222 = arith.addf %parallel_loop3A_208, %parallel_loop3A_221 : vector<16xf32>
          %parallel_loop3A_223 = arith.constant 1 : i32
          %parallel_loop3A_224 = arith.addi %parallel_loop3A_207, %parallel_loop3A_223 : i32
          %parallel_loop3A_225 = vector.broadcast %parallel_loop3A_224 : i32 to vector<16xi32>
          %parallel_loop3A_226 = arith.addi %iota3A, %parallel_loop3A_225 : vector<16xi32>
          %parallel_loop3A_227 = arith.constant 127 : i32
          %parallel_loop3A_228 = vector.broadcast %parallel_loop3A_227 : i32 to vector<16xi32>
          %parallel_loop3A_229 = arith.andi %parallel_loop3A_226, %parallel_loop3A_228 : vector<16xi32>
          %parallel_loop3A_230 = tpu.vector_load_idx %arg8[%add3A_183, %parallel_loop3A_229] : memref<80x128xf32, #tpu.memory_space<vmem>>[vector<16xi32>, vector<16xi32>], vector<16xf32>,
          %parallel_loop3A_231 = tpu.vector_load_idx %arg9[%add3A_183, %parallel_loop3A_229] : memref<80x128xf32, #tpu.memory_space<vmem>>[vector<16xi32>, vector<16xi32>], vector<16xf32>,
          %parallel_loop3A_232 = arith.mulf %parallel_loop3A_230, %parallel_loop3A_231 : vector<16xf32>
          %parallel_loop3A_233 = arith.addf %parallel_loop3A_209, %parallel_loop3A_232 : vector<16xf32>
          %parallel_loop3A_234 = arith.constant 2 : i32
          %parallel_loop3A_235 = arith.addi %parallel_loop3A_207, %parallel_loop3A_234 : i32
          %parallel_loop3A_236 = vector.broadcast %parallel_loop3A_235 : i32 to vector<16xi32>
          %parallel_loop3A_237 = arith.addi %iota3A, %parallel_loop3A_236 : vector<16xi32>
          %parallel_loop3A_238 = arith.constant 127 : i32
          %parallel_loop3A_239 = vector.broadcast %parallel_loop3A_238 : i32 to vector<16xi32>
          %parallel_loop3A_240 = arith.andi %parallel_loop3A_237, %parallel_loop3A_239 : vector<16xi32>
          %parallel_loop3A_241 = tpu.vector_load_idx %arg8[%add3A_183, %parallel_loop3A_240] : memref<80x128xf32, #tpu.memory_space<vmem>>[vector<16xi32>, vector<16xi32>], vector<16xf32>,
          %parallel_loop3A_242 = tpu.vector_load_idx %arg9[%add3A_183, %parallel_loop3A_240] : memref<80x128xf32, #tpu.memory_space<vmem>>[vector<16xi32>, vector<16xi32>], vector<16xf32>,
          %parallel_loop3A_243 = arith.mulf %parallel_loop3A_241, %parallel_loop3A_242 : vector<16xf32>
          %parallel_loop3A_244 = arith.addf %parallel_loop3A_210, %parallel_loop3A_243 : vector<16xf32>
          %parallel_loop3A_245 = arith.constant 3 : i32
          %parallel_loop3A_246 = arith.addi %parallel_loop3A_207, %parallel_loop3A_245 : i32
          %parallel_loop3A_247 = vector.broadcast %parallel_loop3A_246 : i32 to vector<16xi32>
          %parallel_loop3A_248 = arith.addi %iota3A, %parallel_loop3A_247 : vector<16xi32>
          %parallel_loop3A_249 = arith.constant 127 : i32
          %parallel_loop3A_250 = vector.broadcast %parallel_loop3A_249 : i32 to vector<16xi32>
          %parallel_loop3A_251 = arith.andi %parallel_loop3A_248, %parallel_loop3A_250 : vector<16xi32>
          %parallel_loop3A_252 = tpu.vector_load_idx %arg8[%add3A_183, %parallel_loop3A_251] : memref<80x128xf32, #tpu.memory_space<vmem>>[vector<16xi32>, vector<16xi32>], vector<16xf32>,
          %parallel_loop3A_253 = tpu.vector_load_idx %arg9[%add3A_183, %parallel_loop3A_251] : memref<80x128xf32, #tpu.memory_space<vmem>>[vector<16xi32>, vector<16xi32>], vector<16xf32>,
          %parallel_loop3A_254 = arith.mulf %parallel_loop3A_252, %parallel_loop3A_253 : vector<16xf32>
          %parallel_loop3A_255 = arith.addf %parallel_loop3A_211, %parallel_loop3A_254 : vector<16xf32>
          scf.yield %parallel_loop3A_222, %parallel_loop3A_233, %parallel_loop3A_244, %parallel_loop3A_255 : vector<16xf32>, vector<16xf32>, vector<16xf32>, vector<16xf32>
        } {sc.loop_unroll_factor = 4 : i64, sc.parallel_access}
        %add3A_188 = arith.addf %parallel_loop3A_187#0, %parallel_loop3A_187#1 : vector<16xf32>
        %add3A_189 = arith.addf %parallel_loop3A_187#2, %parallel_loop3A_187#3 : vector<16xf32>
        %add3A_190 = arith.addf %add3A_188, %add3A_189 : vector<16xf32>
        %abs3A = math.absf %add3A_190 : vector<16xf32>
        %neg3A = arith.constant 0.000000e+00 : f32
        %neg3A_191 = vector.broadcast %neg3A : f32 to vector<16xf32>
        %neg3A_192 = arith.subf %neg3A_191, %abs3A : vector<16xf32>
        %exp3A = math.exp %neg3A_192 : vector<16xf32>
        %add3A_193 = arith.constant 1.000000e+00 : f32
        %add3A_194 = vector.broadcast %add3A_193 : f32 to vector<16xf32>
        %add3A_195 = arith.addf %add3A_194, %exp3A : vector<16xf32>
        %div3A = arith.constant 1.000000e+00 : f32
        %div3A_196 = vector.broadcast %div3A : f32 to vector<16xf32>
        %div3A_197 = arith.divf %div3A_196, %add3A_195 : vector<16xf32>
        %ge3A = arith.constant 0.000000e+00 : f32
        %ge3A_198 = vector.broadcast %ge3A : f32 to vector<16xf32>
        %ge3A_199 = arith.cmpf oge, %add3A_190, %ge3A_198 : vector<16xf32>
        %mul3A_200 = arith.mulf %exp3A, %div3A_197 : vector<16xf32>
        %select_n3A = arith.select %ge3A_199, %div3A_197, %mul3A_200 : vector<16xi1>, vector<16xf32>
        %mul3A_201 = arith.constant 80 : i32
        %mul3A_202 = arith.muli %add3A_92, %mul3A_201 : i32
        %mul3A_203 = arith.constant 16 : i32
        %mul3A_204 = arith.muli %scan3A_179, %mul3A_203 : i32
        %add3A_205 = arith.addi %mul3A_202, %mul3A_204 : i32
        %swap3A = arith.index_cast %add3A_205 : i32 to index
        %swap3A_206 = tpu.vector_load %arg14[%swap3A] {strides = array<i32>} : memref<10000xf32, #tpu.memory_space<vmem>>, vector<16xf32>,
        tpu.vector_store %arg14[%swap3A], %select_n3A {strides = array<i32>} : memref<10000xf32, #tpu.memory_space<vmem>>, vector<16xf32>,
      }
      %scan3A_112 = arith.constant 5 : i32
      %add3A_113 = arith.constant 3 : i32
      %add3A_114 = arith.addi %add3A_92, %add3A_113 : i32
      %lt3A = arith.constant 125 : i32
      %lt3A_115 = arith.cmpi slt, %add3A_114, %lt3A : i32
      %convert_element_type3A = arith.extui %lt3A_115 : i1 to i32
      %cond3A = arith.constant 0 : i32
      %cond3A_116 = arith.cmpi ne, %convert_element_type3A, %cond3A : i32
      scf.if %cond3A_116 {
        %add3A_179 = arith.constant 3 : i32
        %add3A_180 = arith.addi %add3A_92, %add3A_179 : i32
        %dma_start3A_181 = arith.constant 0 : i32
        %dma_start3A_182 = tpu.memref_slice %arg6[%add3A_180, %dma_start3A_181] : memref<125x80xi32, #tpu.memory_space<vmem>> -> memref<1x80xi32, #tpu.memory_space<vmem>>
        %dma_start3A_183 = tpu.memref_squeeze %dma_start3A_182 : memref<1x80xi32, #tpu.memory_space<vmem>> -> memref<80xi32, #tpu.memory_space<vmem>>
        %dma_start3A_184 = arith.constant 0 : i32
        %dma_start3A_185 = arith.constant 0 : i32
        %dma_start3A_186 = tpu.memref_slice %arg4[%dma_start3A_184, %dma_start3A_185] : memref<10000x128xf32, #tpu.memory_space<hbm>> -> memref<10000x128xf32, #tpu.memory_space<hbm>>
        tpu.enqueue_indirect_dma source(%dma_start3A_186 : memref<10000x128xf32, #tpu.memory_space<hbm>>) target(%arg8 : memref<80x128xf32, #tpu.memory_space<vmem>>) offsets(%dma_start3A_183 : memref<80xi32, #tpu.memory_space<vmem>>) semaphore(%arg15 : memref<!tpu.dma_semaphore, #tpu.memory_space<semaphore_mem>>)
        %dma_start3A_187 = arith.constant 0 : i32
        %dma_start3A_188 = tpu.memref_slice %arg7[%add3A_180, %dma_start3A_187] : memref<125x80xi32, #tpu.memory_space<vmem>> -> memref<1x80xi32, #tpu.memory_space<vmem>>
        %dma_start3A_189 = tpu.memref_squeeze %dma_start3A_188 : memref<1x80xi32, #tpu.memory_space<vmem>> -> memref<80xi32, #tpu.memory_space<vmem>>
        %dma_start3A_190 = arith.constant 0 : i32
        %dma_start3A_191 = arith.constant 0 : i32
        %dma_start3A_192 = tpu.memref_slice %arg4[%dma_start3A_190, %dma_start3A_191] : memref<10000x128xf32, #tpu.memory_space<hbm>> -> memref<10000x128xf32, #tpu.memory_space<hbm>>
        tpu.enqueue_indirect_dma source(%dma_start3A_192 : memref<10000x128xf32, #tpu.memory_space<hbm>>) target(%arg9 : memref<80x128xf32, #tpu.memory_space<vmem>>) offsets(%dma_start3A_189 : memref<80xi32, #tpu.memory_space<vmem>>) semaphore(%arg16 : memref<!tpu.dma_semaphore, #tpu.memory_space<semaphore_mem>>)
      } else {
      }
      %mul3A_117 = arith.constant 3 : i32
      %mul3A_118 = arith.muli %mul3A_117, %scan3A_88 : i32
      %add3A_119 = arith.constant 1 : i32
      %add3A_120 = arith.addi %mul3A_118, %add3A_119 : i32
      %dma_wait3A_121 = arith.constant 0 : i32
      %dma_wait3A_122 = arith.constant 0 : i32
      %dma_wait3A_123 = tpu.memref_slice %arg6[%dma_wait3A_121, %dma_wait3A_122] : memref<125x80xi32, #tpu.memory_space<vmem>> -> memref<1x80xi32, #tpu.memory_space<vmem>>
      %dma_wait3A_124 = tpu.memref_squeeze %dma_wait3A_123 : memref<1x80xi32, #tpu.memory_space<vmem>> -> memref<80xi32, #tpu.memory_space<vmem>>
      %dma_wait3A_125 = arith.constant 0 : i32
      %dma_wait3A_126 = arith.constant 0 : i32
      %dma_wait3A_127 = tpu.memref_slice %arg4[%dma_wait3A_125, %dma_wait3A_126] : memref<10000x128xf32, #tpu.memory_space<hbm>> -> memref<10000x128xf32, #tpu.memory_space<hbm>>
      tpu.wait_indirect_dma semaphore(%arg17 : memref<!tpu.dma_semaphore, #tpu.memory_space<semaphore_mem>>) src(%dma_wait3A_127 : memref<10000x128xf32, #tpu.memory_space<hbm>>) dst(%arg10 : memref<80x128xf32, #tpu.memory_space<vmem>>)
      %dma_wait3A_128 = arith.constant 0 : i32
      %dma_wait3A_129 = arith.constant 0 : i32
      %dma_wait3A_130 = tpu.memref_slice %arg7[%dma_wait3A_128, %dma_wait3A_129] : memref<125x80xi32, #tpu.memory_space<vmem>> -> memref<1x80xi32, #tpu.memory_space<vmem>>
      %dma_wait3A_131 = tpu.memref_squeeze %dma_wait3A_130 : memref<1x80xi32, #tpu.memory_space<vmem>> -> memref<80xi32, #tpu.memory_space<vmem>>
      %dma_wait3A_132 = arith.constant 0 : i32
      %dma_wait3A_133 = arith.constant 0 : i32
      %dma_wait3A_134 = tpu.memref_slice %arg4[%dma_wait3A_132, %dma_wait3A_133] : memref<10000x128xf32, #tpu.memory_space<hbm>> -> memref<10000x128xf32, #tpu.memory_space<hbm>>
      tpu.wait_indirect_dma semaphore(%arg18 : memref<!tpu.dma_semaphore, #tpu.memory_space<semaphore_mem>>) src(%dma_wait3A_134 : memref<10000x128xf32, #tpu.memory_space<hbm>>) dst(%arg11 : memref<80x128xf32, #tpu.memory_space<vmem>>)
      %scan3A_135 = arith.constant 0 : i32
      %scan3A_136 = arith.constant 0 : i32
      %scan3A_137 = arith.constant 5 : i32
      %scan3A_138 = arith.addi %scan3A_136, %scan3A_137 : i32
      %scan3A_139 = arith.constant 1 : i32
      scf.for %scan3A_179 = %scan3A_136 to %scan3A_138 step %scan3A_139  : i32 {
        %iota3A = tpu.iota {dimensions = array<i32: 0>} : vector<16xi32>
        %mul3A_180 = arith.constant 16 : i32
        %mul3A_181 = arith.muli %scan3A_179, %mul3A_180 : i32
        %add3A_182 = vector.broadcast %mul3A_181 : i32 to vector<16xi32>
        %add3A_183 = arith.addi %add3A_182, %iota3A : vector<16xi32>
        %broadcast_in_dim3A = arith.constant 0.000000e+00 : f32
        %broadcast_in_dim3A_184 = vector.broadcast %broadcast_in_dim3A : f32 to vector<16xf32>
        %parallel_loop3A = arith.constant 0 : i32
        %parallel_loop3A_185 = arith.constant 128 : i32
        %parallel_loop3A_186 = arith.constant 4 : i32
        %parallel_loop3A_187:4 = scf.for %parallel_loop3A_207 = %parallel_loop3A to %parallel_loop3A_185 step %parallel_loop3A_186 iter_args(%parallel_loop3A_208 = %broadcast_in_dim3A_184, %parallel_loop3A_209 = %broadcast_in_dim3A_184, %parallel_loop3A_210 = %broadcast_in_dim3A_184, %parallel_loop3A_211 = %broadcast_in_dim3A_184) -> (vector<16xf32>, vector<16xf32>, vector<16xf32>, vector<16xf32>)  : i32 {
          %parallel_loop3A_212 = arith.constant 0 : i32
          %parallel_loop3A_213 = arith.addi %parallel_loop3A_207, %parallel_loop3A_212 : i32
          %parallel_loop3A_214 = vector.broadcast %parallel_loop3A_213 : i32 to vector<16xi32>
          %parallel_loop3A_215 = arith.addi %iota3A, %parallel_loop3A_214 : vector<16xi32>
          %parallel_loop3A_216 = arith.constant 127 : i32
          %parallel_loop3A_217 = vector.broadcast %parallel_loop3A_216 : i32 to vector<16xi32>
          %parallel_loop3A_218 = arith.andi %parallel_loop3A_215, %parallel_loop3A_217 : vector<16xi32>
          %parallel_loop3A_219 = tpu.vector_load_idx %arg10[%add3A_183, %parallel_loop3A_218] : memref<80x128xf32, #tpu.memory_space<vmem>>[vector<16xi32>, vector<16xi32>], vector<16xf32>,
          %parallel_loop3A_220 = tpu.vector_load_idx %arg11[%add3A_183, %parallel_loop3A_218] : memref<80x128xf32, #tpu.memory_space<vmem>>[vector<16xi32>, vector<16xi32>], vector<16xf32>,
          %parallel_loop3A_221 = arith.mulf %parallel_loop3A_219, %parallel_loop3A_220 : vector<16xf32>
          %parallel_loop3A_222 = arith.addf %parallel_loop3A_208, %parallel_loop3A_221 : vector<16xf32>
          %parallel_loop3A_223 = arith.constant 1 : i32
          %parallel_loop3A_224 = arith.addi %parallel_loop3A_207, %parallel_loop3A_223 : i32
          %parallel_loop3A_225 = vector.broadcast %parallel_loop3A_224 : i32 to vector<16xi32>
          %parallel_loop3A_226 = arith.addi %iota3A, %parallel_loop3A_225 : vector<16xi32>
          %parallel_loop3A_227 = arith.constant 127 : i32
          %parallel_loop3A_228 = vector.broadcast %parallel_loop3A_227 : i32 to vector<16xi32>
          %parallel_loop3A_229 = arith.andi %parallel_loop3A_226, %parallel_loop3A_228 : vector<16xi32>
          %parallel_loop3A_230 = tpu.vector_load_idx %arg10[%add3A_183, %parallel_loop3A_229] : memref<80x128xf32, #tpu.memory_space<vmem>>[vector<16xi32>, vector<16xi32>], vector<16xf32>,
          %parallel_loop3A_231 = tpu.vector_load_idx %arg11[%add3A_183, %parallel_loop3A_229] : memref<80x128xf32, #tpu.memory_space<vmem>>[vector<16xi32>, vector<16xi32>], vector<16xf32>,
          %parallel_loop3A_232 = arith.mulf %parallel_loop3A_230, %parallel_loop3A_231 : vector<16xf32>
          %parallel_loop3A_233 = arith.addf %parallel_loop3A_209, %parallel_loop3A_232 : vector<16xf32>
          %parallel_loop3A_234 = arith.constant 2 : i32
          %parallel_loop3A_235 = arith.addi %parallel_loop3A_207, %parallel_loop3A_234 : i32
          %parallel_loop3A_236 = vector.broadcast %parallel_loop3A_235 : i32 to vector<16xi32>
          %parallel_loop3A_237 = arith.addi %iota3A, %parallel_loop3A_236 : vector<16xi32>
          %parallel_loop3A_238 = arith.constant 127 : i32
          %parallel_loop3A_239 = vector.broadcast %parallel_loop3A_238 : i32 to vector<16xi32>
          %parallel_loop3A_240 = arith.andi %parallel_loop3A_237, %parallel_loop3A_239 : vector<16xi32>
          %parallel_loop3A_241 = tpu.vector_load_idx %arg10[%add3A_183, %parallel_loop3A_240] : memref<80x128xf32, #tpu.memory_space<vmem>>[vector<16xi32>, vector<16xi32>], vector<16xf32>,
          %parallel_loop3A_242 = tpu.vector_load_idx %arg11[%add3A_183, %parallel_loop3A_240] : memref<80x128xf32, #tpu.memory_space<vmem>>[vector<16xi32>, vector<16xi32>], vector<16xf32>,
          %parallel_loop3A_243 = arith.mulf %parallel_loop3A_241, %parallel_loop3A_242 : vector<16xf32>
          %parallel_loop3A_244 = arith.addf %parallel_loop3A_210, %parallel_loop3A_243 : vector<16xf32>
          %parallel_loop3A_245 = arith.constant 3 : i32
          %parallel_loop3A_246 = arith.addi %parallel_loop3A_207, %parallel_loop3A_245 : i32
          %parallel_loop3A_247 = vector.broadcast %parallel_loop3A_246 : i32 to vector<16xi32>
          %parallel_loop3A_248 = arith.addi %iota3A, %parallel_loop3A_247 : vector<16xi32>
          %parallel_loop3A_249 = arith.constant 127 : i32
          %parallel_loop3A_250 = vector.broadcast %parallel_loop3A_249 : i32 to vector<16xi32>
          %parallel_loop3A_251 = arith.andi %parallel_loop3A_248, %parallel_loop3A_250 : vector<16xi32>
          %parallel_loop3A_252 = tpu.vector_load_idx %arg10[%add3A_183, %parallel_loop3A_251] : memref<80x128xf32, #tpu.memory_space<vmem>>[vector<16xi32>, vector<16xi32>], vector<16xf32>,
          %parallel_loop3A_253 = tpu.vector_load_idx %arg11[%add3A_183, %parallel_loop3A_251] : memref<80x128xf32, #tpu.memory_space<vmem>>[vector<16xi32>, vector<16xi32>], vector<16xf32>,
          %parallel_loop3A_254 = arith.mulf %parallel_loop3A_252, %parallel_loop3A_253 : vector<16xf32>
          %parallel_loop3A_255 = arith.addf %parallel_loop3A_211, %parallel_loop3A_254 : vector<16xf32>
          scf.yield %parallel_loop3A_222, %parallel_loop3A_233, %parallel_loop3A_244, %parallel_loop3A_255 : vector<16xf32>, vector<16xf32>, vector<16xf32>, vector<16xf32>
        } {sc.loop_unroll_factor = 4 : i64, sc.parallel_access}
        %add3A_188 = arith.addf %parallel_loop3A_187#0, %parallel_loop3A_187#1 : vector<16xf32>
        %add3A_189 = arith.addf %parallel_loop3A_187#2, %parallel_loop3A_187#3 : vector<16xf32>
        %add3A_190 = arith.addf %add3A_188, %add3A_189 : vector<16xf32>
        %abs3A = math.absf %add3A_190 : vector<16xf32>
        %neg3A = arith.constant 0.000000e+00 : f32
        %neg3A_191 = vector.broadcast %neg3A : f32 to vector<16xf32>
        %neg3A_192 = arith.subf %neg3A_191, %abs3A : vector<16xf32>
        %exp3A = math.exp %neg3A_192 : vector<16xf32>
        %add3A_193 = arith.constant 1.000000e+00 : f32
        %add3A_194 = vector.broadcast %add3A_193 : f32 to vector<16xf32>
        %add3A_195 = arith.addf %add3A_194, %exp3A : vector<16xf32>
        %div3A = arith.constant 1.000000e+00 : f32
        %div3A_196 = vector.broadcast %div3A : f32 to vector<16xf32>
        %div3A_197 = arith.divf %div3A_196, %add3A_195 : vector<16xf32>
        %ge3A = arith.constant 0.000000e+00 : f32
        %ge3A_198 = vector.broadcast %ge3A : f32 to vector<16xf32>
        %ge3A_199 = arith.cmpf oge, %add3A_190, %ge3A_198 : vector<16xf32>
        %mul3A_200 = arith.mulf %exp3A, %div3A_197 : vector<16xf32>
        %select_n3A = arith.select %ge3A_199, %div3A_197, %mul3A_200 : vector<16xi1>, vector<16xf32>
        %mul3A_201 = arith.constant 80 : i32
        %mul3A_202 = arith.muli %add3A_120, %mul3A_201 : i32
        %mul3A_203 = arith.constant 16 : i32
        %mul3A_204 = arith.muli %scan3A_179, %mul3A_203 : i32
        %add3A_205 = arith.addi %mul3A_202, %mul3A_204 : i32
        %swap3A = arith.index_cast %add3A_205 : i32 to index
        %swap3A_206 = tpu.vector_load %arg14[%swap3A] {strides = array<i32>} : memref<10000xf32, #tpu.memory_space<vmem>>, vector<16xf32>,
        tpu.vector_store %arg14[%swap3A], %select_n3A {strides = array<i32>} : memref<10000xf32, #tpu.memory_space<vmem>>, vector<16xf32>,
      }
      %scan3A_140 = arith.constant 5 : i32
      %add3A_141 = arith.constant 3 : i32
      %add3A_142 = arith.addi %add3A_120, %add3A_141 : i32
      %lt3A_143 = arith.constant 125 : i32
      %lt3A_144 = arith.cmpi slt, %add3A_142, %lt3A_143 : i32
      %convert_element_type3A_145 = arith.extui %lt3A_144 : i1 to i32
      %cond3A_146 = arith.constant 0 : i32
      %cond3A_147 = arith.cmpi ne, %convert_element_type3A_145, %cond3A_146 : i32
      scf.if %cond3A_147 {
        %add3A_179 = arith.constant 3 : i32
        %add3A_180 = arith.addi %add3A_120, %add3A_179 : i32
        %dma_start3A_181 = arith.constant 0 : i32
        %dma_start3A_182 = tpu.memref_slice %arg6[%add3A_180, %dma_start3A_181] : memref<125x80xi32, #tpu.memory_space<vmem>> -> memref<1x80xi32, #tpu.memory_space<vmem>>
        %dma_start3A_183 = tpu.memref_squeeze %dma_start3A_182 : memref<1x80xi32, #tpu.memory_space<vmem>> -> memref<80xi32, #tpu.memory_space<vmem>>
        %dma_start3A_184 = arith.constant 0 : i32
        %dma_start3A_185 = arith.constant 0 : i32
        %dma_start3A_186 = tpu.memref_slice %arg4[%dma_start3A_184, %dma_start3A_185] : memref<10000x128xf32, #tpu.memory_space<hbm>> -> memref<10000x128xf32, #tpu.memory_space<hbm>>
        tpu.enqueue_indirect_dma source(%dma_start3A_186 : memref<10000x128xf32, #tpu.memory_space<hbm>>) target(%arg10 : memref<80x128xf32, #tpu.memory_space<vmem>>) offsets(%dma_start3A_183 : memref<80xi32, #tpu.memory_space<vmem>>) semaphore(%arg17 : memref<!tpu.dma_semaphore, #tpu.memory_space<semaphore_mem>>)
        %dma_start3A_187 = arith.constant 0 : i32
        %dma_start3A_188 = tpu.memref_slice %arg7[%add3A_180, %dma_start3A_187] : memref<125x80xi32, #tpu.memory_space<vmem>> -> memref<1x80xi32, #tpu.memory_space<vmem>>
        %dma_start3A_189 = tpu.memref_squeeze %dma_start3A_188 : memref<1x80xi32, #tpu.memory_space<vmem>> -> memref<80xi32, #tpu.memory_space<vmem>>
        %dma_start3A_190 = arith.constant 0 : i32
        %dma_start3A_191 = arith.constant 0 : i32
        %dma_start3A_192 = tpu.memref_slice %arg4[%dma_start3A_190, %dma_start3A_191] : memref<10000x128xf32, #tpu.memory_space<hbm>> -> memref<10000x128xf32, #tpu.memory_space<hbm>>
        tpu.enqueue_indirect_dma source(%dma_start3A_192 : memref<10000x128xf32, #tpu.memory_space<hbm>>) target(%arg11 : memref<80x128xf32, #tpu.memory_space<vmem>>) offsets(%dma_start3A_189 : memref<80xi32, #tpu.memory_space<vmem>>) semaphore(%arg18 : memref<!tpu.dma_semaphore, #tpu.memory_space<semaphore_mem>>)
      } else {
      }
      %mul3A_148 = arith.constant 3 : i32
      %mul3A_149 = arith.muli %mul3A_148, %scan3A_88 : i32
      %add3A_150 = arith.constant 2 : i32
      %add3A_151 = arith.addi %mul3A_149, %add3A_150 : i32
      %dma_wait3A_152 = arith.constant 0 : i32
      %dma_wait3A_153 = arith.constant 0 : i32
      %dma_wait3A_154 = tpu.memref_slice %arg6[%dma_wait3A_152, %dma_wait3A_153] : memref<125x80xi32, #tpu.memory_space<vmem>> -> memref<1x80xi32, #tpu.memory_space<vmem>>
      %dma_wait3A_155 = tpu.memref_squeeze %dma_wait3A_154 : memref<1x80xi32, #tpu.memory_space<vmem>> -> memref<80xi32, #tpu.memory_space<vmem>>
      %dma_wait3A_156 = arith.constant 0 : i32
      %dma_wait3A_157 = arith.constant 0 : i32
      %dma_wait3A_158 = tpu.memref_slice %arg4[%dma_wait3A_156, %dma_wait3A_157] : memref<10000x128xf32, #tpu.memory_space<hbm>> -> memref<10000x128xf32, #tpu.memory_space<hbm>>
      tpu.wait_indirect_dma semaphore(%arg19 : memref<!tpu.dma_semaphore, #tpu.memory_space<semaphore_mem>>) src(%dma_wait3A_158 : memref<10000x128xf32, #tpu.memory_space<hbm>>) dst(%arg12 : memref<80x128xf32, #tpu.memory_space<vmem>>)
      %dma_wait3A_159 = arith.constant 0 : i32
      %dma_wait3A_160 = arith.constant 0 : i32
      %dma_wait3A_161 = tpu.memref_slice %arg7[%dma_wait3A_159, %dma_wait3A_160] : memref<125x80xi32, #tpu.memory_space<vmem>> -> memref<1x80xi32, #tpu.memory_space<vmem>>
      %dma_wait3A_162 = tpu.memref_squeeze %dma_wait3A_161 : memref<1x80xi32, #tpu.memory_space<vmem>> -> memref<80xi32, #tpu.memory_space<vmem>>
      %dma_wait3A_163 = arith.constant 0 : i32
      %dma_wait3A_164 = arith.constant 0 : i32
      %dma_wait3A_165 = tpu.memref_slice %arg4[%dma_wait3A_163, %dma_wait3A_164] : memref<10000x128xf32, #tpu.memory_space<hbm>> -> memref<10000x128xf32, #tpu.memory_space<hbm>>
      tpu.wait_indirect_dma semaphore(%arg20 : memref<!tpu.dma_semaphore, #tpu.memory_space<semaphore_mem>>) src(%dma_wait3A_165 : memref<10000x128xf32, #tpu.memory_space<hbm>>) dst(%arg13 : memref<80x128xf32, #tpu.memory_space<vmem>>)
      %scan3A_166 = arith.constant 0 : i32
      %scan3A_167 = arith.constant 0 : i32
      %scan3A_168 = arith.constant 5 : i32
      %scan3A_169 = arith.addi %scan3A_167, %scan3A_168 : i32
      %scan3A_170 = arith.constant 1 : i32
      scf.for %scan3A_179 = %scan3A_167 to %scan3A_169 step %scan3A_170  : i32 {
        %iota3A = tpu.iota {dimensions = array<i32: 0>} : vector<16xi32>
        %mul3A_180 = arith.constant 16 : i32
        %mul3A_181 = arith.muli %scan3A_179, %mul3A_180 : i32
        %add3A_182 = vector.broadcast %mul3A_181 : i32 to vector<16xi32>
        %add3A_183 = arith.addi %add3A_182, %iota3A : vector<16xi32>
        %broadcast_in_dim3A = arith.constant 0.000000e+00 : f32
        %broadcast_in_dim3A_184 = vector.broadcast %broadcast_in_dim3A : f32 to vector<16xf32>
        %parallel_loop3A = arith.constant 0 : i32
        %parallel_loop3A_185 = arith.constant 128 : i32
        %parallel_loop3A_186 = arith.constant 4 : i32
        %parallel_loop3A_187:4 = scf.for %parallel_loop3A_207 = %parallel_loop3A to %parallel_loop3A_185 step %parallel_loop3A_186 iter_args(%parallel_loop3A_208 = %broadcast_in_dim3A_184, %parallel_loop3A_209 = %broadcast_in_dim3A_184, %parallel_loop3A_210 = %broadcast_in_dim3A_184, %parallel_loop3A_211 = %broadcast_in_dim3A_184) -> (vector<16xf32>, vector<16xf32>, vector<16xf32>, vector<16xf32>)  : i32 {
          %parallel_loop3A_212 = arith.constant 0 : i32
          %parallel_loop3A_213 = arith.addi %parallel_loop3A_207, %parallel_loop3A_212 : i32
          %parallel_loop3A_214 = vector.broadcast %parallel_loop3A_213 : i32 to vector<16xi32>
          %parallel_loop3A_215 = arith.addi %iota3A, %parallel_loop3A_214 : vector<16xi32>
          %parallel_loop3A_216 = arith.constant 127 : i32
          %parallel_loop3A_217 = vector.broadcast %parallel_loop3A_216 : i32 to vector<16xi32>
          %parallel_loop3A_218 = arith.andi %parallel_loop3A_215, %parallel_loop3A_217 : vector<16xi32>
          %parallel_loop3A_219 = tpu.vector_load_idx %arg12[%add3A_183, %parallel_loop3A_218] : memref<80x128xf32, #tpu.memory_space<vmem>>[vector<16xi32>, vector<16xi32>], vector<16xf32>,
          %parallel_loop3A_220 = tpu.vector_load_idx %arg13[%add3A_183, %parallel_loop3A_218] : memref<80x128xf32, #tpu.memory_space<vmem>>[vector<16xi32>, vector<16xi32>], vector<16xf32>,
          %parallel_loop3A_221 = arith.mulf %parallel_loop3A_219, %parallel_loop3A_220 : vector<16xf32>
          %parallel_loop3A_222 = arith.addf %parallel_loop3A_208, %parallel_loop3A_221 : vector<16xf32>
          %parallel_loop3A_223 = arith.constant 1 : i32
          %parallel_loop3A_224 = arith.addi %parallel_loop3A_207, %parallel_loop3A_223 : i32
          %parallel_loop3A_225 = vector.broadcast %parallel_loop3A_224 : i32 to vector<16xi32>
          %parallel_loop3A_226 = arith.addi %iota3A, %parallel_loop3A_225 : vector<16xi32>
          %parallel_loop3A_227 = arith.constant 127 : i32
          %parallel_loop3A_228 = vector.broadcast %parallel_loop3A_227 : i32 to vector<16xi32>
          %parallel_loop3A_229 = arith.andi %parallel_loop3A_226, %parallel_loop3A_228 : vector<16xi32>
          %parallel_loop3A_230 = tpu.vector_load_idx %arg12[%add3A_183, %parallel_loop3A_229] : memref<80x128xf32, #tpu.memory_space<vmem>>[vector<16xi32>, vector<16xi32>], vector<16xf32>,
          %parallel_loop3A_231 = tpu.vector_load_idx %arg13[%add3A_183, %parallel_loop3A_229] : memref<80x128xf32, #tpu.memory_space<vmem>>[vector<16xi32>, vector<16xi32>], vector<16xf32>,
          %parallel_loop3A_232 = arith.mulf %parallel_loop3A_230, %parallel_loop3A_231 : vector<16xf32>
          %parallel_loop3A_233 = arith.addf %parallel_loop3A_209, %parallel_loop3A_232 : vector<16xf32>
          %parallel_loop3A_234 = arith.constant 2 : i32
          %parallel_loop3A_235 = arith.addi %parallel_loop3A_207, %parallel_loop3A_234 : i32
          %parallel_loop3A_236 = vector.broadcast %parallel_loop3A_235 : i32 to vector<16xi32>
          %parallel_loop3A_237 = arith.addi %iota3A, %parallel_loop3A_236 : vector<16xi32>
          %parallel_loop3A_238 = arith.constant 127 : i32
          %parallel_loop3A_239 = vector.broadcast %parallel_loop3A_238 : i32 to vector<16xi32>
          %parallel_loop3A_240 = arith.andi %parallel_loop3A_237, %parallel_loop3A_239 : vector<16xi32>
          %parallel_loop3A_241 = tpu.vector_load_idx %arg12[%add3A_183, %parallel_loop3A_240] : memref<80x128xf32, #tpu.memory_space<vmem>>[vector<16xi32>, vector<16xi32>], vector<16xf32>,
          %parallel_loop3A_242 = tpu.vector_load_idx %arg13[%add3A_183, %parallel_loop3A_240] : memref<80x128xf32, #tpu.memory_space<vmem>>[vector<16xi32>, vector<16xi32>], vector<16xf32>,
          %parallel_loop3A_243 = arith.mulf %parallel_loop3A_241, %parallel_loop3A_242 : vector<16xf32>
          %parallel_loop3A_244 = arith.addf %parallel_loop3A_210, %parallel_loop3A_243 : vector<16xf32>
          %parallel_loop3A_245 = arith.constant 3 : i32
          %parallel_loop3A_246 = arith.addi %parallel_loop3A_207, %parallel_loop3A_245 : i32
          %parallel_loop3A_247 = vector.broadcast %parallel_loop3A_246 : i32 to vector<16xi32>
          %parallel_loop3A_248 = arith.addi %iota3A, %parallel_loop3A_247 : vector<16xi32>
          %parallel_loop3A_249 = arith.constant 127 : i32
          %parallel_loop3A_250 = vector.broadcast %parallel_loop3A_249 : i32 to vector<16xi32>
          %parallel_loop3A_251 = arith.andi %parallel_loop3A_248, %parallel_loop3A_250 : vector<16xi32>
          %parallel_loop3A_252 = tpu.vector_load_idx %arg12[%add3A_183, %parallel_loop3A_251] : memref<80x128xf32, #tpu.memory_space<vmem>>[vector<16xi32>, vector<16xi32>], vector<16xf32>,
          %parallel_loop3A_253 = tpu.vector_load_idx %arg13[%add3A_183, %parallel_loop3A_251] : memref<80x128xf32, #tpu.memory_space<vmem>>[vector<16xi32>, vector<16xi32>], vector<16xf32>,
          %parallel_loop3A_254 = arith.mulf %parallel_loop3A_252, %parallel_loop3A_253 : vector<16xf32>
          %parallel_loop3A_255 = arith.addf %parallel_loop3A_211, %parallel_loop3A_254 : vector<16xf32>
          scf.yield %parallel_loop3A_222, %parallel_loop3A_233, %parallel_loop3A_244, %parallel_loop3A_255 : vector<16xf32>, vector<16xf32>, vector<16xf32>, vector<16xf32>
        } {sc.loop_unroll_factor = 4 : i64, sc.parallel_access}
        %add3A_188 = arith.addf %parallel_loop3A_187#0, %parallel_loop3A_187#1 : vector<16xf32>
        %add3A_189 = arith.addf %parallel_loop3A_187#2, %parallel_loop3A_187#3 : vector<16xf32>
        %add3A_190 = arith.addf %add3A_188, %add3A_189 : vector<16xf32>
        %abs3A = math.absf %add3A_190 : vector<16xf32>
        %neg3A = arith.constant 0.000000e+00 : f32
        %neg3A_191 = vector.broadcast %neg3A : f32 to vector<16xf32>
        %neg3A_192 = arith.subf %neg3A_191, %abs3A : vector<16xf32>
        %exp3A = math.exp %neg3A_192 : vector<16xf32>
        %add3A_193 = arith.constant 1.000000e+00 : f32
        %add3A_194 = vector.broadcast %add3A_193 : f32 to vector<16xf32>
        %add3A_195 = arith.addf %add3A_194, %exp3A : vector<16xf32>
        %div3A = arith.constant 1.000000e+00 : f32
        %div3A_196 = vector.broadcast %div3A : f32 to vector<16xf32>
        %div3A_197 = arith.divf %div3A_196, %add3A_195 : vector<16xf32>
        %ge3A = arith.constant 0.000000e+00 : f32
        %ge3A_198 = vector.broadcast %ge3A : f32 to vector<16xf32>
        %ge3A_199 = arith.cmpf oge, %add3A_190, %ge3A_198 : vector<16xf32>
        %mul3A_200 = arith.mulf %exp3A, %div3A_197 : vector<16xf32>
        %select_n3A = arith.select %ge3A_199, %div3A_197, %mul3A_200 : vector<16xi1>, vector<16xf32>
        %mul3A_201 = arith.constant 80 : i32
        %mul3A_202 = arith.muli %add3A_151, %mul3A_201 : i32
        %mul3A_203 = arith.constant 16 : i32
        %mul3A_204 = arith.muli %scan3A_179, %mul3A_203 : i32
        %add3A_205 = arith.addi %mul3A_202, %mul3A_204 : i32
        %swap3A = arith.index_cast %add3A_205 : i32 to index
        %swap3A_206 = tpu.vector_load %arg14[%swap3A] {strides = array<i32>} : memref<10000xf32, #tpu.memory_space<vmem>>, vector<16xf32>,
        tpu.vector_store %arg14[%swap3A], %select_n3A {strides = array<i32>} : memref<10000xf32, #tpu.memory_space<vmem>>, vector<16xf32>,
      }
      %scan3A_171 = arith.constant 5 : i32
      %add3A_172 = arith.constant 3 : i32
      %add3A_173 = arith.addi %add3A_151, %add3A_172 : i32
      %lt3A_174 = arith.constant 125 : i32
      %lt3A_175 = arith.cmpi slt, %add3A_173, %lt3A_174 : i32
      %convert_element_type3A_176 = arith.extui %lt3A_175 : i1 to i32
      %cond3A_177 = arith.constant 0 : i32
      %cond3A_178 = arith.cmpi ne, %convert_element_type3A_176, %cond3A_177 : i32
      scf.if %cond3A_178 {
        %add3A_179 = arith.constant 3 : i32
        %add3A_180 = arith.addi %add3A_151, %add3A_179 : i32
        %dma_start3A_181 = arith.constant 0 : i32
        %dma_start3A_182 = tpu.memref_slice %arg6[%add3A_180, %dma_start3A_181] : memref<125x80xi32, #tpu.memory_space<vmem>> -> memref<1x80xi32, #tpu.memory_space<vmem>>
        %dma_start3A_183 = tpu.memref_squeeze %dma_start3A_182 : memref<1x80xi32, #tpu.memory_space<vmem>> -> memref<80xi32, #tpu.memory_space<vmem>>
        %dma_start3A_184 = arith.constant 0 : i32
        %dma_start3A_185 = arith.constant 0 : i32
        %dma_start3A_186 = tpu.memref_slice %arg4[%dma_start3A_184, %dma_start3A_185] : memref<10000x128xf32, #tpu.memory_space<hbm>> -> memref<10000x128xf32, #tpu.memory_space<hbm>>
        tpu.enqueue_indirect_dma source(%dma_start3A_186 : memref<10000x128xf32, #tpu.memory_space<hbm>>) target(%arg12 : memref<80x128xf32, #tpu.memory_space<vmem>>) offsets(%dma_start3A_183 : memref<80xi32, #tpu.memory_space<vmem>>) semaphore(%arg19 : memref<!tpu.dma_semaphore, #tpu.memory_space<semaphore_mem>>)
        %dma_start3A_187 = arith.constant 0 : i32
        %dma_start3A_188 = tpu.memref_slice %arg7[%add3A_180, %dma_start3A_187] : memref<125x80xi32, #tpu.memory_space<vmem>> -> memref<1x80xi32, #tpu.memory_space<vmem>>
        %dma_start3A_189 = tpu.memref_squeeze %dma_start3A_188 : memref<1x80xi32, #tpu.memory_space<vmem>> -> memref<80xi32, #tpu.memory_space<vmem>>
        %dma_start3A_190 = arith.constant 0 : i32
        %dma_start3A_191 = arith.constant 0 : i32
        %dma_start3A_192 = tpu.memref_slice %arg4[%dma_start3A_190, %dma_start3A_191] : memref<10000x128xf32, #tpu.memory_space<hbm>> -> memref<10000x128xf32, #tpu.memory_space<hbm>>
        tpu.enqueue_indirect_dma source(%dma_start3A_192 : memref<10000x128xf32, #tpu.memory_space<hbm>>) target(%arg13 : memref<80x128xf32, #tpu.memory_space<vmem>>) offsets(%dma_start3A_189 : memref<80xi32, #tpu.memory_space<vmem>>) semaphore(%arg20 : memref<!tpu.dma_semaphore, #tpu.memory_space<semaphore_mem>>)
      } else {
      }
    }
    %scan3A_46 = arith.constant 41 : i32
    %dma_wait3A = arith.constant 0 : i32
    %dma_wait3A_47 = arith.constant 0 : i32
    %dma_wait3A_48 = tpu.memref_slice %arg6[%dma_wait3A, %dma_wait3A_47] : memref<125x80xi32, #tpu.memory_space<vmem>> -> memref<1x80xi32, #tpu.memory_space<vmem>>
    %dma_wait3A_49 = tpu.memref_squeeze %dma_wait3A_48 : memref<1x80xi32, #tpu.memory_space<vmem>> -> memref<80xi32, #tpu.memory_space<vmem>>
    %dma_wait3A_50 = arith.constant 0 : i32
    %dma_wait3A_51 = arith.constant 0 : i32
    %dma_wait3A_52 = tpu.memref_slice %arg4[%dma_wait3A_50, %dma_wait3A_51] : memref<10000x128xf32, #tpu.memory_space<hbm>> -> memref<10000x128xf32, #tpu.memory_space<hbm>>
    tpu.wait_indirect_dma semaphore(%arg15 : memref<!tpu.dma_semaphore, #tpu.memory_space<semaphore_mem>>) src(%dma_wait3A_52 : memref<10000x128xf32, #tpu.memory_space<hbm>>) dst(%arg8 : memref<80x128xf32, #tpu.memory_space<vmem>>)
    %dma_wait3A_53 = arith.constant 0 : i32
    %dma_wait3A_54 = arith.constant 0 : i32
    %dma_wait3A_55 = tpu.memref_slice %arg7[%dma_wait3A_53, %dma_wait3A_54] : memref<125x80xi32, #tpu.memory_space<vmem>> -> memref<1x80xi32, #tpu.memory_space<vmem>>
    %dma_wait3A_56 = tpu.memref_squeeze %dma_wait3A_55 : memref<1x80xi32, #tpu.memory_space<vmem>> -> memref<80xi32, #tpu.memory_space<vmem>>
    %dma_wait3A_57 = arith.constant 0 : i32
    %dma_wait3A_58 = arith.constant 0 : i32
    %dma_wait3A_59 = tpu.memref_slice %arg4[%dma_wait3A_57, %dma_wait3A_58] : memref<10000x128xf32, #tpu.memory_space<hbm>> -> memref<10000x128xf32, #tpu.memory_space<hbm>>
    tpu.wait_indirect_dma semaphore(%arg16 : memref<!tpu.dma_semaphore, #tpu.memory_space<semaphore_mem>>) src(%dma_wait3A_59 : memref<10000x128xf32, #tpu.memory_space<hbm>>) dst(%arg9 : memref<80x128xf32, #tpu.memory_space<vmem>>)
    %scan3A_60 = arith.constant 0 : i32
    %scan3A_61 = arith.constant 0 : i32
    %scan3A_62 = arith.constant 5 : i32
    %scan3A_63 = arith.addi %scan3A_61, %scan3A_62 : i32
    %scan3A_64 = arith.constant 1 : i32
    scf.for %scan3A_88 = %scan3A_61 to %scan3A_63 step %scan3A_64  : i32 {
      %iota3A = tpu.iota {dimensions = array<i32: 0>} : vector<16xi32>
      %mul3A_89 = arith.constant 16 : i32
      %mul3A_90 = arith.muli %scan3A_88, %mul3A_89 : i32
      %add3A_91 = vector.broadcast %mul3A_90 : i32 to vector<16xi32>
      %add3A_92 = arith.addi %add3A_91, %iota3A : vector<16xi32>
      %broadcast_in_dim3A = arith.constant 0.000000e+00 : f32
      %broadcast_in_dim3A_93 = vector.broadcast %broadcast_in_dim3A : f32 to vector<16xf32>
      %parallel_loop3A = arith.constant 0 : i32
      %parallel_loop3A_94 = arith.constant 128 : i32
      %parallel_loop3A_95 = arith.constant 4 : i32
      %parallel_loop3A_96:4 = scf.for %parallel_loop3A_115 = %parallel_loop3A to %parallel_loop3A_94 step %parallel_loop3A_95 iter_args(%parallel_loop3A_116 = %broadcast_in_dim3A_93, %parallel_loop3A_117 = %broadcast_in_dim3A_93, %parallel_loop3A_118 = %broadcast_in_dim3A_93, %parallel_loop3A_119 = %broadcast_in_dim3A_93) -> (vector<16xf32>, vector<16xf32>, vector<16xf32>, vector<16xf32>)  : i32 {
        %parallel_loop3A_120 = arith.constant 0 : i32
        %parallel_loop3A_121 = arith.addi %parallel_loop3A_115, %parallel_loop3A_120 : i32
        %parallel_loop3A_122 = vector.broadcast %parallel_loop3A_121 : i32 to vector<16xi32>
        %parallel_loop3A_123 = arith.addi %iota3A, %parallel_loop3A_122 : vector<16xi32>
        %parallel_loop3A_124 = arith.constant 127 : i32
        %parallel_loop3A_125 = vector.broadcast %parallel_loop3A_124 : i32 to vector<16xi32>
        %parallel_loop3A_126 = arith.andi %parallel_loop3A_123, %parallel_loop3A_125 : vector<16xi32>
        %parallel_loop3A_127 = tpu.vector_load_idx %arg8[%add3A_92, %parallel_loop3A_126] : memref<80x128xf32, #tpu.memory_space<vmem>>[vector<16xi32>, vector<16xi32>], vector<16xf32>,
        %parallel_loop3A_128 = tpu.vector_load_idx %arg9[%add3A_92, %parallel_loop3A_126] : memref<80x128xf32, #tpu.memory_space<vmem>>[vector<16xi32>, vector<16xi32>], vector<16xf32>,
        %parallel_loop3A_129 = arith.mulf %parallel_loop3A_127, %parallel_loop3A_128 : vector<16xf32>
        %parallel_loop3A_130 = arith.addf %parallel_loop3A_116, %parallel_loop3A_129 : vector<16xf32>
        %parallel_loop3A_131 = arith.constant 1 : i32
        %parallel_loop3A_132 = arith.addi %parallel_loop3A_115, %parallel_loop3A_131 : i32
        %parallel_loop3A_133 = vector.broadcast %parallel_loop3A_132 : i32 to vector<16xi32>
        %parallel_loop3A_134 = arith.addi %iota3A, %parallel_loop3A_133 : vector<16xi32>
        %parallel_loop3A_135 = arith.constant 127 : i32
        %parallel_loop3A_136 = vector.broadcast %parallel_loop3A_135 : i32 to vector<16xi32>
        %parallel_loop3A_137 = arith.andi %parallel_loop3A_134, %parallel_loop3A_136 : vector<16xi32>
        %parallel_loop3A_138 = tpu.vector_load_idx %arg8[%add3A_92, %parallel_loop3A_137] : memref<80x128xf32, #tpu.memory_space<vmem>>[vector<16xi32>, vector<16xi32>], vector<16xf32>,
        %parallel_loop3A_139 = tpu.vector_load_idx %arg9[%add3A_92, %parallel_loop3A_137] : memref<80x128xf32, #tpu.memory_space<vmem>>[vector<16xi32>, vector<16xi32>], vector<16xf32>,
        %parallel_loop3A_140 = arith.mulf %parallel_loop3A_138, %parallel_loop3A_139 : vector<16xf32>
        %parallel_loop3A_141 = arith.addf %parallel_loop3A_117, %parallel_loop3A_140 : vector<16xf32>
        %parallel_loop3A_142 = arith.constant 2 : i32
        %parallel_loop3A_143 = arith.addi %parallel_loop3A_115, %parallel_loop3A_142 : i32
        %parallel_loop3A_144 = vector.broadcast %parallel_loop3A_143 : i32 to vector<16xi32>
        %parallel_loop3A_145 = arith.addi %iota3A, %parallel_loop3A_144 : vector<16xi32>
        %parallel_loop3A_146 = arith.constant 127 : i32
        %parallel_loop3A_147 = vector.broadcast %parallel_loop3A_146 : i32 to vector<16xi32>
        %parallel_loop3A_148 = arith.andi %parallel_loop3A_145, %parallel_loop3A_147 : vector<16xi32>
        %parallel_loop3A_149 = tpu.vector_load_idx %arg8[%add3A_92, %parallel_loop3A_148] : memref<80x128xf32, #tpu.memory_space<vmem>>[vector<16xi32>, vector<16xi32>], vector<16xf32>,
        %parallel_loop3A_150 = tpu.vector_load_idx %arg9[%add3A_92, %parallel_loop3A_148] : memref<80x128xf32, #tpu.memory_space<vmem>>[vector<16xi32>, vector<16xi32>], vector<16xf32>,
        %parallel_loop3A_151 = arith.mulf %parallel_loop3A_149, %parallel_loop3A_150 : vector<16xf32>
        %parallel_loop3A_152 = arith.addf %parallel_loop3A_118, %parallel_loop3A_151 : vector<16xf32>
        %parallel_loop3A_153 = arith.constant 3 : i32
        %parallel_loop3A_154 = arith.addi %parallel_loop3A_115, %parallel_loop3A_153 : i32
        %parallel_loop3A_155 = vector.broadcast %parallel_loop3A_154 : i32 to vector<16xi32>
        %parallel_loop3A_156 = arith.addi %iota3A, %parallel_loop3A_155 : vector<16xi32>
        %parallel_loop3A_157 = arith.constant 127 : i32
        %parallel_loop3A_158 = vector.broadcast %parallel_loop3A_157 : i32 to vector<16xi32>
        %parallel_loop3A_159 = arith.andi %parallel_loop3A_156, %parallel_loop3A_158 : vector<16xi32>
        %parallel_loop3A_160 = tpu.vector_load_idx %arg8[%add3A_92, %parallel_loop3A_159] : memref<80x128xf32, #tpu.memory_space<vmem>>[vector<16xi32>, vector<16xi32>], vector<16xf32>,
        %parallel_loop3A_161 = tpu.vector_load_idx %arg9[%add3A_92, %parallel_loop3A_159] : memref<80x128xf32, #tpu.memory_space<vmem>>[vector<16xi32>, vector<16xi32>], vector<16xf32>,
        %parallel_loop3A_162 = arith.mulf %parallel_loop3A_160, %parallel_loop3A_161 : vector<16xf32>
        %parallel_loop3A_163 = arith.addf %parallel_loop3A_119, %parallel_loop3A_162 : vector<16xf32>
        scf.yield %parallel_loop3A_130, %parallel_loop3A_141, %parallel_loop3A_152, %parallel_loop3A_163 : vector<16xf32>, vector<16xf32>, vector<16xf32>, vector<16xf32>
      } {sc.loop_unroll_factor = 4 : i64, sc.parallel_access}
      %add3A_97 = arith.addf %parallel_loop3A_96#0, %parallel_loop3A_96#1 : vector<16xf32>
      %add3A_98 = arith.addf %parallel_loop3A_96#2, %parallel_loop3A_96#3 : vector<16xf32>
      %add3A_99 = arith.addf %add3A_97, %add3A_98 : vector<16xf32>
      %abs3A = math.absf %add3A_99 : vector<16xf32>
      %neg3A = arith.constant 0.000000e+00 : f32
      %neg3A_100 = vector.broadcast %neg3A : f32 to vector<16xf32>
      %neg3A_101 = arith.subf %neg3A_100, %abs3A : vector<16xf32>
      %exp3A = math.exp %neg3A_101 : vector<16xf32>
      %add3A_102 = arith.constant 1.000000e+00 : f32
      %add3A_103 = vector.broadcast %add3A_102 : f32 to vector<16xf32>
      %add3A_104 = arith.addf %add3A_103, %exp3A : vector<16xf32>
      %div3A = arith.constant 1.000000e+00 : f32
      %div3A_105 = vector.broadcast %div3A : f32 to vector<16xf32>
      %div3A_106 = arith.divf %div3A_105, %add3A_104 : vector<16xf32>
      %ge3A = arith.constant 0.000000e+00 : f32
      %ge3A_107 = vector.broadcast %ge3A : f32 to vector<16xf32>
      %ge3A_108 = arith.cmpf oge, %add3A_99, %ge3A_107 : vector<16xf32>
      %mul3A_109 = arith.mulf %exp3A, %div3A_106 : vector<16xf32>
      %select_n3A = arith.select %ge3A_108, %div3A_106, %mul3A_109 : vector<16xi1>, vector<16xf32>
      %mul3A_110 = arith.constant 16 : i32
      %mul3A_111 = arith.muli %scan3A_88, %mul3A_110 : i32
      %add3A_112 = arith.constant 9840 : i32
      %add3A_113 = arith.addi %add3A_112, %mul3A_111 : i32
      %swap3A = arith.index_cast %add3A_113 : i32 to index
      %swap3A_114 = tpu.vector_load %arg14[%swap3A] {strides = array<i32>} : memref<10000xf32, #tpu.memory_space<vmem>>, vector<16xf32>,
      tpu.vector_store %arg14[%swap3A], %select_n3A {strides = array<i32>} : memref<10000xf32, #tpu.memory_space<vmem>>, vector<16xf32>,
    }
    %scan3A_65 = arith.constant 5 : i32
    %dma_wait3A_66 = arith.constant 0 : i32
    %dma_wait3A_67 = arith.constant 0 : i32
    %dma_wait3A_68 = tpu.memref_slice %arg6[%dma_wait3A_66, %dma_wait3A_67] : memref<125x80xi32, #tpu.memory_space<vmem>> -> memref<1x80xi32, #tpu.memory_space<vmem>>
    %dma_wait3A_69 = tpu.memref_squeeze %dma_wait3A_68 : memref<1x80xi32, #tpu.memory_space<vmem>> -> memref<80xi32, #tpu.memory_space<vmem>>
    %dma_wait3A_70 = arith.constant 0 : i32
    %dma_wait3A_71 = arith.constant 0 : i32
    %dma_wait3A_72 = tpu.memref_slice %arg4[%dma_wait3A_70, %dma_wait3A_71] : memref<10000x128xf32, #tpu.memory_space<hbm>> -> memref<10000x128xf32, #tpu.memory_space<hbm>>
    tpu.wait_indirect_dma semaphore(%arg17 : memref<!tpu.dma_semaphore, #tpu.memory_space<semaphore_mem>>) src(%dma_wait3A_72 : memref<10000x128xf32, #tpu.memory_space<hbm>>) dst(%arg10 : memref<80x128xf32, #tpu.memory_space<vmem>>)
    %dma_wait3A_73 = arith.constant 0 : i32
    %dma_wait3A_74 = arith.constant 0 : i32
    %dma_wait3A_75 = tpu.memref_slice %arg7[%dma_wait3A_73, %dma_wait3A_74] : memref<125x80xi32, #tpu.memory_space<vmem>> -> memref<1x80xi32, #tpu.memory_space<vmem>>
    %dma_wait3A_76 = tpu.memref_squeeze %dma_wait3A_75 : memref<1x80xi32, #tpu.memory_space<vmem>> -> memref<80xi32, #tpu.memory_space<vmem>>
    %dma_wait3A_77 = arith.constant 0 : i32
    %dma_wait3A_78 = arith.constant 0 : i32
    %dma_wait3A_79 = tpu.memref_slice %arg4[%dma_wait3A_77, %dma_wait3A_78] : memref<10000x128xf32, #tpu.memory_space<hbm>> -> memref<10000x128xf32, #tpu.memory_space<hbm>>
    tpu.wait_indirect_dma semaphore(%arg18 : memref<!tpu.dma_semaphore, #tpu.memory_space<semaphore_mem>>) src(%dma_wait3A_79 : memref<10000x128xf32, #tpu.memory_space<hbm>>) dst(%arg11 : memref<80x128xf32, #tpu.memory_space<vmem>>)
    %scan3A_80 = arith.constant 0 : i32
    %scan3A_81 = arith.constant 0 : i32
    %scan3A_82 = arith.constant 5 : i32
    %scan3A_83 = arith.addi %scan3A_81, %scan3A_82 : i32
    %scan3A_84 = arith.constant 1 : i32
    scf.for %scan3A_88 = %scan3A_81 to %scan3A_83 step %scan3A_84  : i32 {
      %iota3A = tpu.iota {dimensions = array<i32: 0>} : vector<16xi32>
      %mul3A_89 = arith.constant 16 : i32
      %mul3A_90 = arith.muli %scan3A_88, %mul3A_89 : i32
      %add3A_91 = vector.broadcast %mul3A_90 : i32 to vector<16xi32>
      %add3A_92 = arith.addi %add3A_91, %iota3A : vector<16xi32>
      %broadcast_in_dim3A = arith.constant 0.000000e+00 : f32
      %broadcast_in_dim3A_93 = vector.broadcast %broadcast_in_dim3A : f32 to vector<16xf32>
      %parallel_loop3A = arith.constant 0 : i32
      %parallel_loop3A_94 = arith.constant 128 : i32
      %parallel_loop3A_95 = arith.constant 4 : i32
      %parallel_loop3A_96:4 = scf.for %parallel_loop3A_115 = %parallel_loop3A to %parallel_loop3A_94 step %parallel_loop3A_95 iter_args(%parallel_loop3A_116 = %broadcast_in_dim3A_93, %parallel_loop3A_117 = %broadcast_in_dim3A_93, %parallel_loop3A_118 = %broadcast_in_dim3A_93, %parallel_loop3A_119 = %broadcast_in_dim3A_93) -> (vector<16xf32>, vector<16xf32>, vector<16xf32>, vector<16xf32>)  : i32 {
        %parallel_loop3A_120 = arith.constant 0 : i32
        %parallel_loop3A_121 = arith.addi %parallel_loop3A_115, %parallel_loop3A_120 : i32
        %parallel_loop3A_122 = vector.broadcast %parallel_loop3A_121 : i32 to vector<16xi32>
        %parallel_loop3A_123 = arith.addi %iota3A, %parallel_loop3A_122 : vector<16xi32>
        %parallel_loop3A_124 = arith.constant 127 : i32
        %parallel_loop3A_125 = vector.broadcast %parallel_loop3A_124 : i32 to vector<16xi32>
        %parallel_loop3A_126 = arith.andi %parallel_loop3A_123, %parallel_loop3A_125 : vector<16xi32>
        %parallel_loop3A_127 = tpu.vector_load_idx %arg10[%add3A_92, %parallel_loop3A_126] : memref<80x128xf32, #tpu.memory_space<vmem>>[vector<16xi32>, vector<16xi32>], vector<16xf32>,
        %parallel_loop3A_128 = tpu.vector_load_idx %arg11[%add3A_92, %parallel_loop3A_126] : memref<80x128xf32, #tpu.memory_space<vmem>>[vector<16xi32>, vector<16xi32>], vector<16xf32>,
        %parallel_loop3A_129 = arith.mulf %parallel_loop3A_127, %parallel_loop3A_128 : vector<16xf32>
        %parallel_loop3A_130 = arith.addf %parallel_loop3A_116, %parallel_loop3A_129 : vector<16xf32>
        %parallel_loop3A_131 = arith.constant 1 : i32
        %parallel_loop3A_132 = arith.addi %parallel_loop3A_115, %parallel_loop3A_131 : i32
        %parallel_loop3A_133 = vector.broadcast %parallel_loop3A_132 : i32 to vector<16xi32>
        %parallel_loop3A_134 = arith.addi %iota3A, %parallel_loop3A_133 : vector<16xi32>
        %parallel_loop3A_135 = arith.constant 127 : i32
        %parallel_loop3A_136 = vector.broadcast %parallel_loop3A_135 : i32 to vector<16xi32>
        %parallel_loop3A_137 = arith.andi %parallel_loop3A_134, %parallel_loop3A_136 : vector<16xi32>
        %parallel_loop3A_138 = tpu.vector_load_idx %arg10[%add3A_92, %parallel_loop3A_137] : memref<80x128xf32, #tpu.memory_space<vmem>>[vector<16xi32>, vector<16xi32>], vector<16xf32>,
        %parallel_loop3A_139 = tpu.vector_load_idx %arg11[%add3A_92, %parallel_loop3A_137] : memref<80x128xf32, #tpu.memory_space<vmem>>[vector<16xi32>, vector<16xi32>], vector<16xf32>,
        %parallel_loop3A_140 = arith.mulf %parallel_loop3A_138, %parallel_loop3A_139 : vector<16xf32>
        %parallel_loop3A_141 = arith.addf %parallel_loop3A_117, %parallel_loop3A_140 : vector<16xf32>
        %parallel_loop3A_142 = arith.constant 2 : i32
        %parallel_loop3A_143 = arith.addi %parallel_loop3A_115, %parallel_loop3A_142 : i32
        %parallel_loop3A_144 = vector.broadcast %parallel_loop3A_143 : i32 to vector<16xi32>
        %parallel_loop3A_145 = arith.addi %iota3A, %parallel_loop3A_144 : vector<16xi32>
        %parallel_loop3A_146 = arith.constant 127 : i32
        %parallel_loop3A_147 = vector.broadcast %parallel_loop3A_146 : i32 to vector<16xi32>
        %parallel_loop3A_148 = arith.andi %parallel_loop3A_145, %parallel_loop3A_147 : vector<16xi32>
        %parallel_loop3A_149 = tpu.vector_load_idx %arg10[%add3A_92, %parallel_loop3A_148] : memref<80x128xf32, #tpu.memory_space<vmem>>[vector<16xi32>, vector<16xi32>], vector<16xf32>,
        %parallel_loop3A_150 = tpu.vector_load_idx %arg11[%add3A_92, %parallel_loop3A_148] : memref<80x128xf32, #tpu.memory_space<vmem>>[vector<16xi32>, vector<16xi32>], vector<16xf32>,
        %parallel_loop3A_151 = arith.mulf %parallel_loop3A_149, %parallel_loop3A_150 : vector<16xf32>
        %parallel_loop3A_152 = arith.addf %parallel_loop3A_118, %parallel_loop3A_151 : vector<16xf32>
        %parallel_loop3A_153 = arith.constant 3 : i32
        %parallel_loop3A_154 = arith.addi %parallel_loop3A_115, %parallel_loop3A_153 : i32
        %parallel_loop3A_155 = vector.broadcast %parallel_loop3A_154 : i32 to vector<16xi32>
        %parallel_loop3A_156 = arith.addi %iota3A, %parallel_loop3A_155 : vector<16xi32>
        %parallel_loop3A_157 = arith.constant 127 : i32
        %parallel_loop3A_158 = vector.broadcast %parallel_loop3A_157 : i32 to vector<16xi32>
        %parallel_loop3A_159 = arith.andi %parallel_loop3A_156, %parallel_loop3A_158 : vector<16xi32>
        %parallel_loop3A_160 = tpu.vector_load_idx %arg10[%add3A_92, %parallel_loop3A_159] : memref<80x128xf32, #tpu.memory_space<vmem>>[vector<16xi32>, vector<16xi32>], vector<16xf32>,
        %parallel_loop3A_161 = tpu.vector_load_idx %arg11[%add3A_92, %parallel_loop3A_159] : memref<80x128xf32, #tpu.memory_space<vmem>>[vector<16xi32>, vector<16xi32>], vector<16xf32>,
        %parallel_loop3A_162 = arith.mulf %parallel_loop3A_160, %parallel_loop3A_161 : vector<16xf32>
        %parallel_loop3A_163 = arith.addf %parallel_loop3A_119, %parallel_loop3A_162 : vector<16xf32>
        scf.yield %parallel_loop3A_130, %parallel_loop3A_141, %parallel_loop3A_152, %parallel_loop3A_163 : vector<16xf32>, vector<16xf32>, vector<16xf32>, vector<16xf32>
      } {sc.loop_unroll_factor = 4 : i64, sc.parallel_access}
      %add3A_97 = arith.addf %parallel_loop3A_96#0, %parallel_loop3A_96#1 : vector<16xf32>
      %add3A_98 = arith.addf %parallel_loop3A_96#2, %parallel_loop3A_96#3 : vector<16xf32>
      %add3A_99 = arith.addf %add3A_97, %add3A_98 : vector<16xf32>
      %abs3A = math.absf %add3A_99 : vector<16xf32>
      %neg3A = arith.constant 0.000000e+00 : f32
      %neg3A_100 = vector.broadcast %neg3A : f32 to vector<16xf32>
      %neg3A_101 = arith.subf %neg3A_100, %abs3A : vector<16xf32>
      %exp3A = math.exp %neg3A_101 : vector<16xf32>
      %add3A_102 = arith.constant 1.000000e+00 : f32
      %add3A_103 = vector.broadcast %add3A_102 : f32 to vector<16xf32>
      %add3A_104 = arith.addf %add3A_103, %exp3A : vector<16xf32>
      %div3A = arith.constant 1.000000e+00 : f32
      %div3A_105 = vector.broadcast %div3A : f32 to vector<16xf32>
      %div3A_106 = arith.divf %div3A_105, %add3A_104 : vector<16xf32>
      %ge3A = arith.constant 0.000000e+00 : f32
      %ge3A_107 = vector.broadcast %ge3A : f32 to vector<16xf32>
      %ge3A_108 = arith.cmpf oge, %add3A_99, %ge3A_107 : vector<16xf32>
      %mul3A_109 = arith.mulf %exp3A, %div3A_106 : vector<16xf32>
      %select_n3A = arith.select %ge3A_108, %div3A_106, %mul3A_109 : vector<16xi1>, vector<16xf32>
      %mul3A_110 = arith.constant 16 : i32
      %mul3A_111 = arith.muli %scan3A_88, %mul3A_110 : i32
      %add3A_112 = arith.constant 9920 : i32
      %add3A_113 = arith.addi %add3A_112, %mul3A_111 : i32
      %swap3A = arith.index_cast %add3A_113 : i32 to index
      %swap3A_114 = tpu.vector_load %arg14[%swap3A] {strides = array<i32>} : memref<10000xf32, #tpu.memory_space<vmem>>, vector<16xf32>,
      tpu.vector_store %arg14[%swap3A], %select_n3A {strides = array<i32>} : memref<10000xf32, #tpu.memory_space<vmem>>, vector<16xf32>,
    }
    %scan3A_85 = arith.constant 5 : i32
    %mul3A_86 = arith.constant 10000 : i32
    %mul3A_87 = arith.muli %add3A, %mul3A_86 : i32
    "tpu.region"() ({
      %run_scoped3A = tpu.sem_alloc : memref<!tpu.dma_semaphore, #tpu.memory_space<semaphore_mem>>
      %dma_start3A_88 = tpu.memref_slice %arg5[%mul3A_87] : memref<320000xf32, #tpu.memory_space<hbm>> -> memref<10000xf32, #tpu.memory_space<hbm>>
      %dma_start3A_89 = tpu.memref_slice %arg5[%mul3A_87] : memref<320000xf32, #tpu.memory_space<hbm>> -> memref<10000xf32, #tpu.memory_space<hbm>>
      tpu.enqueue_dma source(%arg14 : memref<10000xf32, #tpu.memory_space<vmem>>) target(%dma_start3A_89 : memref<10000xf32, #tpu.memory_space<hbm>>) target_semaphore(%run_scoped3A : memref<!tpu.dma_semaphore, #tpu.memory_space<semaphore_mem>>)
      %dma_wait3A_90 = tpu.memref_slice %arg5[%mul3A_87] : memref<320000xf32, #tpu.memory_space<hbm>> -> memref<10000xf32, #tpu.memory_space<hbm>>
      %dma_wait3A_91 = tpu.memref_slice %arg5[%mul3A_87] : memref<320000xf32, #tpu.memory_space<hbm>> -> memref<10000xf32, #tpu.memory_space<hbm>>
      tpu.wait_dma2 semaphore(%run_scoped3A : memref<!tpu.dma_semaphore, #tpu.memory_space<semaphore_mem>>) src(%arg14 : memref<10000xf32, #tpu.memory_space<vmem>>) dst(%dma_wait3A_91 : memref<10000xf32, #tpu.memory_space<hbm>>)
      tpu.yield
    }) : () -> ()
    return
  }
}

</mosaic_0001>

<sc_bundles>
// kernel: _mp_sc.3.cloned.1.call-start
scs
__scs_entry_jumppad:
0x0: {  	(pc) =	sbr.rel $0x88, $3  }
0x1: {  	(tag) =	ssettag $0x0;
	lr =	simm.s32 $0x1  }
0x2: {  	[smem:$0x3F9E] =	sst lr;
	_ =	strace $0xD0000000  }
0x3: {  	_ = 	snop  }
0x4: {  	_ = 	snop  }
0x5: {  	_ = 	snop  }
0x6: {  	_ = 	snop  }
0x7: {  	_ = 	snop  }
__scs_overlays_trampoline_lowered:
0x8: {  	[smem:$0x3FAD] =	sst s0  }
0x9: {  	[smem:$0x3FAE] =	sst s1  }
0xa: {  	[smem:$0x3FAF] =	sst s2  }
0xb: {  	[smem:$0x3FB0] =	sst s3  }
0xc: {  	[smem:$0x3FB1] =	sst s4  }
0xd: {  	[smem:$0x3FB2] =	sst s5  }
0xe: {  	[smem:$0x3FB3] =	sst s6  }
0xf: {  	[smem:$0x3FB4] =	sst s7  }
0x10: {  	[smem:$0x3FB5] =	sst s8  }
0x11: {  	[smem:$0x3FB6] =	sst s9;
	s0 =	simm.s32 @!p0 $0x0  }
0x12: {  	s1 =	sld [smem:$0x3F9C];
	s0 =	simm.s32 @p0 $0x1  }
0x13: {  	[smem:$0x3FB7] =	sst s0;
	s0 =	simm.s32 @!p1 $0x0  }
0x14: {  	s2 =	sld [smem:$0x3F9B];
	s0 =	simm.s32 @p1 $0x1  }
0x15: {  	[smem:$0x3FB8] =	sst s0;
	s0 =	simm.s32 @!p2 $0x0  }
0x16: {  	s3 =	sld [smem:$0x3FDB];
	s0 =	simm.s32 @p2 $0x1  }
0x17: {  	s4 =	simm.s32 $0x1BF5;
	[smem:$0x3FBA] =	sst s0  }
0x18: {  	s0 =	sld [smem:$0x3F9D];
	_ =	swait.ge [sflag:s4], $0x0  }
0x19: {  	s7 =	sld [smem:$0x3F9E]  }
0x1a: {  	s8 =	sadd.s32 $0xFFFFE003, lr  }
0x1b: {  	s9 =	sadd.s32 $0xFFFFFEF7, lr;
	s5 =	simm.s32 $0xFFFFFFFF;
	p2 =	slt.u32 s8, $0xFFFFF086  }
0x1c: {  	p1 =	slt.u32 s9, $0xF7A;
	s5 =	simm.s32 @!p2 $0x0  }
0x1d: {  	s5 =	simm.s32 @p1 $0x1;
	p0 =	seq.s32 s7, s2  }
0x1e: {  	s7 =	smul.u32 @!p0 $0xF7A, s2;
	p2 =	seq.s32 @!p0 s5, $0x0  }
0x1f: {  	s9 =	smul.u32 $0xF7A, s1;
	s8 =	simm.s32 @!p0 $0x1BF5;
	p2 =	por !p2, p0  }
0x20: {  	[sflag:s8] =	ssyncset.s32 @!p0 $0xFFFFF086;
	s6 =	sadd.s32 @!p0 s3, s7;
	s7 =	simm.s32 @!p0 $0x108  }
0x21: {  	s3 =	sadd.s32 s3, s9;
	s6 =	sadd.s32 @!p0 $0x88, s6;
	s7 =	simm.s32 @p2 $0x1082  }
0x22: {  	[simem:s7], [sflag:s8] =	dma.local @!p0 [hbm:s6], $0xF7A  }
0x23: {  	s9 =	sor.u32 $0xD0000000, s2;
	s6 =	simm.s32 $0x108;
	_ =	swait.ge @!p0 [sflag:s8], $0x0  }
0x24: {  	s3 =	sadd.s32 $0x88, s3;
	s6 =	simm.s32 @!p1 $0x1082;
	[sflag:s4] =	ssyncset.s32 $0xFFFFF086  }
0x25: {  	[simem:s6], [sflag:s4] =	dma.local [hbm:s3], $0xF7A  }
0x26: {  	[smem:$0x3F9E] =	sst s1;
	(tag) =	ssettag s2;
	_ =	strace s9  }
0x27: {  	s1 =	sld [smem:$0x3FAE]  }
0x28: {  	s2 =	sld [smem:$0x3FAF]  }
0x29: {  	s4 =	sld [smem:$0x3FB1]  }
0x2a: {  	p0 =	seq.s32 s5, $0x0;
	s5 =	sld [smem:$0x3FB2]  }
0x2b: {  	s6 =	sld [smem:$0x3FB3]  }
0x2c: {  	s7 =	sld [smem:$0x3FB4]  }
0x2d: {  	s3 =	simm.s32 $0x108;
	s8 =	sld [smem:$0x3FB5]  }
0x2e: {  	s3 =	simm.s32 @!p0 $0x1082;
	s9 =	sld [smem:$0x3FB6]  }
0x2f: {  	lr =	sadd.s32 s0, s3;
	s0 =	sld [smem:$0x3FAD]  }
0x30: {  	s3 =	sld [smem:$0x3FB0]  }
0x31: {  	[smem:$0x3FB9] =	sst s10  }
0x32: {  	s10 =	sld [smem:$0x3FB7];
	_ =	sdelay $0x3  }
0x33: {  	p0 =	seq.s32 s10, $0x1;
	s10 =	sld [smem:$0x3FB9];
	_ =	sdelay $0x3  }
0x34: {  	[smem:$0x3FB9] =	sst s10  }
0x35: {  	s10 =	sld [smem:$0x3FB8];
	_ =	sdelay $0x3  }
0x36: {  	p1 =	seq.s32 s10, $0x1;
	s10 =	sld [smem:$0x3FB9];
	_ =	sdelay $0x3  }
0x37: {  	[smem:$0x3FB9] =	sst s10  }
0x38: {  	s10 =	sld [smem:$0x3FBA]  }
0x39: {  	_ = 	snop;
	(pc) =	sbr.ind lr, $3  }
0x3a: {  	_ = 	snop  }
0x3b: {  	_ = 	snop  }
0x3c: {  	p2 =	seq.s32 s10, $0x1;
	s10 =	sld [smem:$0x3FB9]  }
0x3d: {  	_ =	shalt  }
0x3e: {  	_ =	shalt  }
0x3f: {  	_ =	shalt  }
0x40: {  	_ =	shalt  }
0x41: {  	_ =	shalt  }
0x42: {  	_ =	shalt  }
0x43: {  	_ =	shalt  }
0x44: {  	_ =	shalt  }
0x45: {  	_ =	shalt  }
0x46: {  	_ =	shalt  }
0x47: {  	_ =	shalt  }
0x48: {  	_ =	shalt  }
0x49: {  	_ =	shalt  }
0x4a: {  	_ =	shalt  }
0x4b: {  	_ =	shalt  }
0x4c: {  	_ =	shalt  }
0x4d: {  	_ =	shalt  }
0x4e: {  	_ =	shalt  }
0x4f: {  	_ =	shalt  }
0x50: {  	_ =	shalt  }
0x51: {  	_ =	shalt  }
0x52: {  	_ =	shalt  }
0x53: {  	_ =	shalt  }
0x54: {  	_ =	shalt  }
0x55: {  	_ =	shalt  }
0x56: {  	_ =	shalt  }
0x57: {  	_ =	shalt  }
0x58: {  	_ =	shalt  }
0x59: {  	_ =	shalt  }
0x5a: {  	_ =	shalt  }
0x5b: {  	_ =	shalt  }
0x5c: {  	_ =	shalt  }
0x5d: {  	_ =	shalt  }
0x5e: {  	_ =	shalt  }
0x5f: {  	_ =	shalt  }
0x60: {  	_ =	shalt  }
0x61: {  	_ =	shalt  }
0x62: {  	_ =	shalt  }
0x63: {  	_ =	shalt  }
0x64: {  	_ =	shalt  }
0x65: {  	_ =	shalt  }
0x66: {  	_ =	shalt  }
0x67: {  	_ =	shalt  }
0x68: {  	_ =	shalt  }
0x69: {  	_ =	shalt  }
0x6a: {  	_ =	shalt  }
0x6b: {  	_ =	shalt  }
0x6c: {  	_ =	shalt  }
0x6d: {  	_ =	shalt  }
0x6e: {  	_ =	shalt  }
0x6f: {  	_ =	shalt  }
0x70: {  	_ =	shalt  }
0x71: {  	_ =	shalt  }
0x72: {  	_ =	shalt  }
0x73: {  	_ =	shalt  }
0x74: {  	_ =	shalt  }
0x75: {  	_ =	shalt  }
0x76: {  	_ =	shalt  }
0x77: {  	_ =	shalt  }
0x78: {  	_ =	shalt  }
0x79: {  	_ =	shalt  }
0x7a: {  	_ =	shalt  }
0x7b: {  	_ =	shalt  }
0x7c: {  	_ =	shalt  }
0x7d: {  	_ =	shalt  }
0x7e: {  	_ =	shalt  }
0x7f: {  	_ =	shalt  }
0x80: {  	_ =	shalt  }
0x81: {  	_ =	shalt  }
0x82: {  	_ =	shalt  }
0x83: {  	_ =	shalt  }
0x84: {  	_ =	shalt  }
0x85: {  	_ =	shalt  }
0x86: {  	_ =	shalt  }
0x87: {  	_ =	shalt  }
.Lfunc_end0:
.L_simem_size_0:
called_computation_lowered:
.L_overlay_start_0:
0x88: {  	s2 =	sld [smem:$0x3FD9]  }
0x89: {  	s3 =	sld [smem:$0x3FFE];
	_ =	sdelay $0x1  }
0x8a: {  	s1 =	srdreg.scid  }
0x8b: {  	s0 =	sand.u32 $0x1, s1  }
0x8c: {  	s17 =	sshll.u32 s0, $0xA;
	s2 =	sadd.s32 s3, s2  }
0x8d: {  	s2 =	sadd.s32 s2, s17  }
0x8e: {  	[smem:$0x3FC5] =	sst s2  }
0x8f: {  	_ = 	snop  }
0x90: {  	s2 =	sld [smem:$0x3FC7]  }
0x91: {  	s18 =	sld [smem:$0x3FD0];
	(tm) =	ssettm $0x1  }
0x92: {  	s4 =	sld [smem:$0x3FFB];
	_ =	sdelay $0x3  }
0x93: {  	_ =	strace s4  }
0x94: {  	s4 =	sld [smem:$0x3FFC];
	_ =	sdelay $0x3  }
0x95: {  	_ =	strace s4  }
0x96: {  	s4 =	sld [smem:$0x3FFD];
	_ =	sdelay $0x3  }
0x97: {  	_ =	strace s4  }
0x98: {  	_ =	strace $0x8FFFFFFF  }
0x99: {  	s19 =	sld [smem:$0x3FDB];
	_ =	sdelay $0x1  }
0x9a: {  	s5 =	simm.s32 $_scs_section_size  }
0x9b: {  	s6 =	simm.s32 $_size__tile_overlayer_lowered;
	s7 =	simm.s32 $_tile_overlayer_lowered  }
0x9c: {  	s22 =	simm.s32 $0x1BFF;
	s21 =	sshll.u32 s7, $0x1;
	s4 =	sadd.s32 s5, s19  }
0x9d: {  	s8 =	simm.s32 $0x0;
	s20 =	sshll.u32 s6, $0x1;
	s6 =	sadd.s32 s21, s4  }
0x9e: {  	[timem:s8], [sflag:s22] =	dma.local [hbm:s6], s20  }
0x9f: {  	_ =	swait.ge [sflag:s22], s20  }
0xa0: {  	s5 =	ssub.s32 $0x0, s20;
	[sflag:s22] =	ssyncset.done $0x0  }
0xa1: {  	[sflag:s22] =	ssyncadd.s32 s5;
	_ =	sdelay $0x1  }
0xa2: {  	s23 =	simm.s32 $0x1B8B  }
0xa3: {  	_ =	swait.ge [sflag:s23], $0x1  }
0xa4: {  	[sflag:s23] =	ssyncset.done $0x0  }
0xa5: {  	s25 =	simm.s32 $0x1B8E;
	s24 =	sld [smem:$0x3FFE];
	[sflag:s23] =	ssyncadd.s32 $0xFFFFFFFF  }
0xa6: {  	s26 =	simm.s32 $execute0_lowered;
	[smem:$0x3FD2] =	sst s25  }
0xa7: {  	s6 =	sshll.u32 s26, $0x1;
	_ =	strace $0x80000046;
	[dreg:$0x1] =	wrdreg $0xFFFFFFFF  }
0xa8: {  	s28 =	simm.s32 $_size_execute0_lowered;
	s4 =	sadd.s32 s4, s6;
	[dreg:$0x0] =	wrdreg $0x0  }
0xa9: {  	s6 =	sshll.u32 s28, $0x1;
	[dreg:$0x2] =	wrdreg s4  }
0xaa: {  	[dreg:$0x3] =	wrdreg s6  }
0xab: {  	[dreg:$0x4] =	wrdreg $0xC0  }
0xac: {  	_ =	task [dreg:s8], $0x5FFFF  }
0xad: {  	[dreg:$0x1] =	wrdreg $0xFFFFFFFF  }
0xae: {  	[dreg:$0x0] =	wrdreg $0x60  }
0xaf: {  	[dreg:$0x2] =	wrdreg s24  }
0xb0: {  	[dreg:$0x3] =	wrdreg s2  }
0xb1: {  	[dreg:$0x4] =	wrdreg s18  }
0xb2: {  	[dreg:$0x5] =	wrdreg $0x9  }
0xb3: {  	_ =	task.clear_ibuf [dreg:s8], $0x6FFFF;
	_ =	strace $0x90000046  }
0xb4: {  	s29 =	simm.s32 $0x9;
	_ =	strace $0x80000048  }
0xb5: {  	_ =	swait.ge [sflag:s29], $0x1  }
0xb6: {  	[sflag:s29] =	ssyncadd.s32 $0xFFFFFFFF  }
0xb7: {  	_ =	strace $0x90000048  }
0xb8: {  	_ =	sfence  }
0xb9: {  	s30 =	sld [smem:$0x0];
	_ =	sdelay $0x2  }
0xba: {  	s31 =	sshll.u32 s1, $0xD;
	s1 =	sshrl.u32 s1, $0x2  }
0xbb: {  	s3 =	sand.u32 $0x4000, s31;
	s1 =	sadd.s32 s1, s30  }
0xbc: {  	s0 =	sor.u32 s3, s0;
	s1 =	sshll.u32 s1, $0x11  }
0xbd: {  	s0 =	sor.u32 s1, s0  }
0xbe: {  	s0 =	sadd.s32 $0x8F2B, s0  }
0xbf: {  	[sflag:s0] =	ssyncadd.remote.s32 $0x1  }
0xc0: {  	_ =	sfence.sel $0xFFFF  }
0xc1: {  	[dreg:$0x0] =	wrdreg $0xFFFFFFFF;
	(pc) =	sbr.abs _section_cstart, $3  }
0xc2: {  	[dreg:$0x1] =	wrdreg $0xFFFFFFFF  }
0xc3: {  	_ =	task.clear_ibuf [dreg:s8], $0x2FFFF;
	_ =	strace $0x9FFFFFFF  }
0xc4: {  	(tm) =	ssettm $0x7FFFFFFF  }
0xc5: {  	_ =	shalt  }
tec
execute0_lowered:
.L_overlay_start_1:
0x0: {  	(tag) =	ssettag $0x1  }
0x1: {  	s0 =	rddreg [dreg:$0x0]  }
0x2: {  	s2 =	rddreg [dreg:$0x1];
	s1 =	srdreg.scid  }
0x3: {  	s3 =	stileid.u32;
	s6 =	rddreg [dreg:$0x2]  }
0x4: {  	s8 =	simm.s32 $0x7;
	s10 =	simm.s32 $0x50;
	s11 =	simm.s32 $0x8000  }
0x5: {  	s12 =	simm.s32 $0xA800;
	s14 =	simm.s32 $0xD000;
	s16 =	simm.s32 $0xF800  }
0x6: {  	s18 =	simm.s32 $0x12000;
	s20 =	simm.s32 $0x14800;
	s21 =	simm.s32 $0x1  }
0x7: {  	s22 =	simm.s32 $0x2;
	s23 =	simm.s32 $0x3;
	s24 =	simm.s32 $0x4  }
0x8: {  	s25 =	simm.s32 $0x5;
	s1 =	sand.u32 $0x1, s1;
	s4 =	sshll.u32 s3, $0x1  }
0x9: {  	s26 =	simm.s32 $0x6;
	s29 =	simm.s32 $0x0;
	s4 =	sor.u32 s1, s4  }
0xa: {  	s3 =	simm.s32 $0x0;
	s1 =	ssub.s32 $0x2, s1;
	s5 =	sshll.u32 s4, $0xB  }
0xb: {  	[smem:$0x7FF] =	sst s3;
	s30 =	sshrl.u32 s1, $0x1;
	s0 =	sadd.s32 s5, s0  }
0xc: {  	s7 =	smul.u32 $0x4E2, s4;
	_ =	strace $0x80000047;
	s31 =	sadd.s32 $0x600, s0  }
0xd: {  	v0 =	vlaneseq.u32;
	s1 =	ssub.s32 s1, s30;
	s0 =	sadd.s32 $0x10600, s0;
	[dreg:$0x4] =	wrdreg s31  }
0xe: {  	v1 =	vmul.u32 $0x80, v0;
	s6 =	sadd.s32 s6, s7;
	s7 =	smax.u32 s1, $0x1;
	[dreg:$0x5] =	wrdreg s0  }
.LBB2_1:
0xf: {  	s0 =	rddreg [dreg:$0x4]  }
0x10: {  	[tilespmem:s3], [sflag:$0x7] =	stream.linear.gather [hbm4b:s0+s3], $0x3E80, $0x38;
	[tilespmem:$0x19780] =	vst v63  }
0x11: {  	_ =	swait.ge [sflag:s8], $0x3E80  }
0x12: {  	[sflag:s8] =	ssyncset.done $0x0  }
0x13: {  	s1 =	simm.s32 $0x4000;
	s15 =	rddreg [dreg:$0x5];
	[sflag:s8] =	ssyncadd.s32 $0xFFFFC180  }
0x14: {  	[tilespmem:s1], [sflag:$0x7] =	stream.linear.gather [hbm4b:s15+s3], $0x3E80, $0x38;
	[tilespmem:$0x19780] =	vst v63  }
0x15: {  	_ =	swait.ge [sflag:s8], $0x3E80  }
0x16: {  	[sflag:s8] =	ssyncset.done $0x0  }
0x17: {  	[sflag:s8] =	ssyncadd.s32 $0xFFFFC180  }
0x18: {  	[tilespmem:s11], [sflag:$0x1] =	stream.indirect.gather [hbm4b:s2+s10], $0x80, s3, s10, $0xb8;
	[tilespmem:$0x19780] =	vst v63  }
0x19: {  	_ = 	snop  }
0x1a: {  	[tilespmem:s12], [sflag:$0x2] =	stream.indirect.gather [hbm4b:s2+s10], $0x80, s1, s10, $0xb8;
	[tilespmem:$0x19780] =	vst v63  }
0x1b: {  	s17 =	simm.s32 $0x80  }
0x1c: {  	[tilespmem:s14], [sflag:$0x3] =	stream.indirect.gather [hbm4b:s2+s10], $0x80, s17, s10, $0xb8;
	[tilespmem:$0x19780] =	vst v63  }
0x1d: {  	s19 =	simm.s32 $0x4080  }
0x1e: {  	[tilespmem:s16], [sflag:$0x4] =	stream.indirect.gather [hbm4b:s2+s10], $0x80, s19, s10, $0xb8;
	[tilespmem:$0x19780] =	vst v63  }
0x1f: {  	s28 =	simm.s32 $0x100  }
0x20: {  	[tilespmem:s18], [sflag:$0x5] =	stream.indirect.gather [hbm4b:s2+s10], $0x80, s28, s10, $0xb8;
	[tilespmem:$0x19780] =	vst v63  }
0x21: {  	s31 =	simm.s32 $0x4100;
	s30 =	simm.s32 $0x0  }
0x22: {  	[tilespmem:s20], [sflag:$0x6] =	stream.indirect.gather [hbm4b:s2+s10], $0x80, s31, s10, $0xb8;
	[tilespmem:$0x19780] =	vst v63  }
.LBB2_2:
0x23: {  	_ =	swait.ge [sflag:s21], $0x2800  }
0x24: {  	s0 =	smul.u32 $0x3C0, s30;
	[sflag:s21] =	ssyncset.done $0x0  }
0x25: {  	[sflag:s21] =	ssyncadd.s32 $0xFFFFD800  }
0x26: {  	s1 =	sshra.s32 s0, $0x2;
	_ =	swait.ge [sflag:s22], $0x2800  }
0x27: {  	s0 =	sadd.s32 $0x17000, s1;
	[sflag:s22] =	ssyncset.done $0x0  }
0x28: {  	s31 =	simm.s32 $0x0;
	v2 =	vmov s0;
	s0 =	simm.s32 $0x0;
	[sflag:s22] =	ssyncadd.s32 $0xFFFFD800  }
.LBB2_3:
0x29: {  	s13 =	sshll.u32 s0, $0x4  }
0x2a: {  	s19 =	simm.s32 $0xF;
	v3 =	vmov s13  }
0x2b: {  	s28 =	simm.s32 $0xB;
	v10 =	vadd.s32 s19, v0;
	v3 =	vshll.u32 v3, $0x7  }
0x2c: {  	v11 =	vadd.s32 s28, v0;
	v10 =	vand.u32 $0x7F, v10;
	v3 =	vor.u32 v1, v3  }
0x2d: {  	v11 =	vand.u32 $0x7F, v11;
	v15 =	vor.u32 v3, v10  }
0x2e: {  	s15 =	simm.s32 $0xC;
	v16 =	vor.u32 v3, v11  }
0x2f: {  	s9 =	simm.s32 $0x8;
	v5 =	vadd.s32 s15, v0;
	v4 =	vor.u32 v0, v3  }
0x30: {  	v7 =	vadd.s32 s9, v0;
	v5 =	vand.u32 $0x7F, v5;
	v6 =	vor.u32 s31, v4  }
0x31: {  	s17 =	simm.s32 $0x4;
	v8 =	vor.u32 v3, v5;
	v5 =	vand.u32 $0x7F, v7  }
0x32: {  	v7 =	vadd.s32 s17, v0;
	v9 =	vor.u32 v3, v5;
	v20 =	vld.idx.msk [tilespmem:v15+s12+$0x0], $0xffff  }
0x33: {  	v7 =	vand.u32 $0x7F, v7;
	v21 =	vld.idx.msk [tilespmem:v16+s11+$0x0], $0xffff  }
0x34: {  	v12 =	vor.u32 v3, v7;
	v24 =	vld.idx.msk [tilespmem:v16+s12+$0x0], $0xffff  }
0x35: {  	v5 =	vld.idx.msk [tilespmem:v6+s11+$0x0], $0xffff  }
0x36: {  	s4 =	simm.s32 $0x7;
	v7 =	vld.idx.msk [tilespmem:v6+s12+$0x0], $0xffff  }
0x37: {  	v14 =	vadd.s32 s4, v0;
	v10 =	vld.idx.msk [tilespmem:v9+s11+$0x0], $0xffff  }
0x38: {  	s5 =	simm.s32 $0x3;
	v13 =	vld.idx.msk [tilespmem:v9+s12+$0x0], $0xffff;
	v9 =	vand.u32 $0x7F, v14  }
0x39: {  	v14 =	vadd.s32 s5, v0;
	v11 =	vld.idx.msk [tilespmem:v12+s11+$0x0], $0xffff;
	v9 =	vor.u32 v3, v9  }
0x3a: {  	s9 =	simm.s32 $0xE;
	v18 =	vld.idx.msk [tilespmem:v12+s12+$0x0], $0xffff;
	v12 =	vand.u32 $0x7F, v14  }
0x3b: {  	v17 =	vadd.s32 s9, v0;
	s17 =	simm.s32 $0xA;
	v6 =	vld.idx.msk [tilespmem:v8+s11+$0x0], $0xffff;
	v12 =	vor.u32 v3, v12  }
0x3c: {  	v17 =	vand.u32 $0x7F, v17;
	v14 =	vld.idx.msk [tilespmem:v15+s11+$0x0], $0xffff;
	v15 =	vadd.s32 s17, v0  }
0x3d: {  	v19 =	vor.u32 v3, v17;
	v8 =	vld.idx.msk [tilespmem:v8+s12+$0x0], $0xffff;
	s17 =	simm.s32 $0x6;
	v15 =	vand.u32 $0x7F, v15  }
0x3e: {  	v29 =	vor.u32 v3, v15;
	v15 =	vadd.s32 s17, v0;
	v23 =	vld.idx.msk [tilespmem:v9+s11+$0x0], $0xffff  }
0x3f: {  	s19 =	simm.s32 $0x2;
	v15 =	vand.u32 $0x7F, v15;
	v26 =	vld.idx.msk [tilespmem:v9+s12+$0x0], $0xffff  }
0x40: {  	s28 =	simm.s32 $0x1;
	v16 =	vadd.s32 s19, v0;
	v30 =	vor.u32 v3, v15;
	v25 =	vld.idx.msk [tilespmem:v12+s11+$0x0], $0xffff  }
0x41: {  	v17 =	vadd.s32 s28, v0;
	v16 =	vand.u32 $0x7F, v16;
	v27 =	vld.idx.msk [tilespmem:v12+s12+$0x0], $0xffff  }
0x42: {  	v31 =	vand.u32 $0x7F, v17;
	v17 =	vimm.f32 $0.0e+00;
	v28 =	vor.u32 v3, v16;
	v12 =	vld.idx.msk [tilespmem:v19+s11+$0x0], $0xffff  }
0x43: {  	s15 =	simm.s32 $0x0;
	s19 =	simm.s32 $0x5;
	v16 =	vimm.f32 $0.0e+00;
	s17 =	simm.s32 $0x10;
	v15 =	vimm.f32 $0.0e+00;
	v9 =	vimm.f32 $0.0e+00;
	v22 =	vld.idx.msk [tilespmem:v29+s11+$0x0], $0xffff  }
.LBB2_4:
0x44: {  	p0 =	slt.u32 s17, $0x70;
	v31 =	vor.u32 v3, v31;
	v32 =	vadd.s32 s19, v0;
	v29 =	vld.idx.msk [tilespmem:v29+s12+$0x0], $0xffff  }
0x45: {  	s19 =	sadd.s32 $0x9, s15;
	v32 =	vand.u32 $0x7F, v32;
	v33 =	vld.idx.msk [tilespmem:v30+s11+$0x0], $0xffff  }
0x46: {  	s28 =	sadd.s32 $0xC, s17;
	v34 =	vadd.s32 s19, v0;
	v32 =	vor.u32 v3, v32;
	v30 =	vld.idx.msk [tilespmem:v30+s12+$0x0], $0xffff  }
0x47: {  	v35 =	vor.u32 s17, v4;
	s19 =	sadd.s32 $0x8, s17;
	v36 =	vadd.s32 s28, v0;
	s28 =	sadd.s32 $0xD, s15;
	s15 =	smov.u32 s17;
	v34 =	vand.u32 $0x7F, v34;
	v37 =	vld.idx.msk [tilespmem:v28+s11+$0x0], $0xffff  }
0x48: {  	s9 =	sadd.s32 $0x4, s17;
	v38 =	vadd.s32 s19, v0;
	v39 =	vadd.s32 s28, v0;
	v34 =	vor.u32 v3, v34;
	v28 =	vld.idx.msk [tilespmem:v28+s12+$0x0], $0xffff  }
0x49: {  	v40 =	vadd.s32 s9, v0;
	v36 =	vand.u32 $0x7F, v36;
	v39 =	vand.u32 $0x7F, v39;
	v41 =	vld.idx.msk [tilespmem:v31+s11+$0x0], $0xffff  }
0x4a: {  	v40 =	vand.u32 $0x7F, v40;
	v38 =	vand.u32 $0x7F, v38;
	v39 =	vor.u32 v3, v39;
	v31 =	vld.idx.msk [tilespmem:v31+s12+$0x0], $0xffff  }
0x4b: {  	v7 =	vmul.f32 v7, v5;
	v36 =	vor.u32 v3, v36;
	v38 =	vor.u32 v3, v38;
	v42 =	vld.idx.msk [tilespmem:v32+s11+$0x0], $0xffff  }
0x4c: {  	v13 =	vmul.f32 v13, v10;
	v43 =	vmul.f32 v8, v6;
	s9 =	sadd.s32 $0xB, s17;
	s19 =	sadd.s32 $0xF, s17;
	v40 =	vor.u32 v3, v40;
	v32 =	vld.idx.msk [tilespmem:v32+s12+$0x0], $0xffff  }
0x4d: {  	s4 =	sadd.s32 $0x7, s17;
	v8 =	vmul.f32 v18, v11;
	s28 =	sadd.s32 $0x3, s17;
	v5 =	vadd.s32 s9, v0;
	v6 =	vadd.s32 s19, v0;
	v10 =	vld.idx.msk [tilespmem:v34+s11+$0x0], $0xffff  }
0x4e: {  	v18 =	vadd.s32 s4, v0;
	v44 =	vadd.s32 s28, v0;
	v6 =	vand.u32 $0x7F, v6;
	v11 =	vld.idx.msk [tilespmem:v34+s12+$0x0], $0xffff  }
0x4f: {  	v21 =	vmul.f32 v24, v21;
	v14 =	vmul.f32 v20, v14;
	v5 =	vand.u32 $0x7F, v5;
	v24 =	vld.idx.msk [tilespmem:v39+s11+$0x0], $0xffff  }
0x50: {  	v23 =	vmul.f32 v26, v23;
	v20 =	vor.u32 v3, v6;
	v6 =	vmul.f32 v31, v41;
	v26 =	vld.idx.msk [tilespmem:v39+s12+$0x0], $0xffff  }
0x51: {  	v25 =	vmul.f32 v27, v25;
	v28 =	vmul.f32 v28, v37;
	v31 =	vor.u32 v3, v5;
	v19 =	vld.idx.msk [tilespmem:v19+s12+$0x0], $0xffff  }
0x52: {  	v9 =	vadd.f32 v7, v9;
	v17 =	vadd.f32 v6, v17;
	v27 =	vmul.f32 v32, v42;
	v5 =	vld.idx.msk [tilespmem:v35+s11+$0x0], $0xffff  }
0x53: {  	v16 =	vadd.f32 v25, v16;
	v25 =	vmul.f32 v30, v33;
	v15 =	vadd.f32 v28, v15;
	v7 =	vld.idx.msk [tilespmem:v35+s12+$0x0], $0xffff  }
0x54: {  	v9 =	vadd.f32 v8, v9;
	v17 =	vadd.f32 v27, v17;
	v11 =	vmul.f32 v11, v10;
	v6 =	vld.idx.msk [tilespmem:v36+s11+$0x0], $0xffff  }
0x55: {  	v22 =	vmul.f32 v29, v22;
	v16 =	vadd.f32 v23, v16;
	v15 =	vadd.f32 v25, v15;
	v8 =	vld.idx.msk [tilespmem:v36+s12+$0x0], $0xffff  }
0x56: {  	v9 =	vadd.f32 v13, v9;
	v17 =	vadd.f32 v11, v17;
	v23 =	vmul.f32 v26, v24;
	v10 =	vld.idx.msk [tilespmem:v38+s11+$0x0], $0xffff  }
0x57: {  	v16 =	vadd.f32 v21, v16;
	v15 =	vadd.f32 v22, v15;
	v12 =	vmul.f32 v19, v12;
	v13 =	vld.idx.msk [tilespmem:v38+s12+$0x0], $0xffff  }
0x58: {  	v9 =	vadd.f32 v43, v9;
	v19 =	vand.u32 $0x7F, v18;
	v17 =	vadd.f32 v23, v17;
	v11 =	vld.idx.msk [tilespmem:v40+s11+$0x0], $0xffff  }
0x59: {  	v16 =	vadd.f32 v14, v16;
	v22 =	vor.u32 v3, v19;
	v15 =	vadd.f32 v12, v15;
	v18 =	vld.idx.msk [tilespmem:v40+s12+$0x0], $0xffff  }
0x5a: {  	s4 =	sadd.s32 $0xE, s17;
	v12 =	vand.u32 $0x7F, v44;
	v14 =	vld.idx.msk [tilespmem:v20+s11+$0x0], $0xffff  }
0x5b: {  	s9 =	sadd.s32 $0xA, s17;
	v19 =	vadd.s32 s4, v0;
	v12 =	vor.u32 v3, v12;
	v20 =	vld.idx.msk [tilespmem:v20+s12+$0x0], $0xffff  }
0x5c: {  	v23 =	vadd.s32 s9, v0;
	v19 =	vand.u32 $0x7F, v19;
	v21 =	vld.idx.msk [tilespmem:v31+s11+$0x0], $0xffff  }
0x5d: {  	s4 =	sadd.s32 $0x6, s17;
	v25 =	vand.u32 $0x7F, v23;
	v19 =	vor.u32 v3, v19;
	v24 =	vld.idx.msk [tilespmem:v31+s12+$0x0], $0xffff  }
0x5e: {  	v26 =	vadd.s32 s4, v0;
	v29 =	vor.u32 v3, v25;
	v23 =	vld.idx.msk [tilespmem:v22+s11+$0x0], $0xffff  }
.Ltmp0:
0x5f: {  	s4 =	sadd.s32 $0x2, s17;
	v27 =	vand.u32 $0x7F, v26;
	v26 =	vld.idx.msk [tilespmem:v22+s12+$0x0], $0xffff;
	(pc) =	sbr.rel @p0 .LBB2_4-.Ltmp0, $4  }
0x60: {  	v30 =	vor.u32 v3, v27;
	v22 =	vadd.s32 s4, v0;
	v25 =	vld.idx.msk [tilespmem:v12+s11+$0x0], $0xffff  }
0x61: {  	s4 =	sadd.s32 $0x1, s17;
	v22 =	vand.u32 $0x7F, v22;
	v27 =	vld.idx.msk [tilespmem:v12+s12+$0x0], $0xffff  }
0x62: {  	v31 =	vadd.s32 s4, v0;
	v28 =	vor.u32 v3, v22;
	v12 =	vld.idx.msk [tilespmem:v19+s11+$0x0], $0xffff  }
0x63: {  	s19 =	sadd.s32 $0x5, s15;
	s17 =	sadd.s32 $0x10, s17;
	v31 =	vand.u32 $0x7F, v31;
	v22 =	vld.idx.msk [tilespmem:v29+s11+$0x0], $0xffff  }
0x64: {  	_ =	sdelay $0x3  }
0x65: {  	v29 =	vld.idx.msk [tilespmem:v29+s12+$0x0], $0xffff  }
0x66: {  	v4 =	vor.u32 v3, v31;
	v62 =	vadd.s32 s19, v0;
	v32 =	vld.idx.msk [tilespmem:v30+s11+$0x0], $0xffff  }
0x67: {  	s4 =	sadd.s32 $0x9, s15;
	v63 =	vld.idx.msk [tilespmem:v30+s12+$0x0], $0xffff;
	v31 =	vand.u32 $0x7F, v62  }
0x68: {  	v34 =	vld.idx.msk [tilespmem:v28+s11+$0x0], $0xffff;
	v33 =	vadd.s32 s4, v0;
	v31 =	vor.u32 v3, v31  }
0x69: {  	s28 =	sadd.s32 $0xD, s15;
	v40 =	vld.idx.msk [tilespmem:v28+s12+$0x0], $0xffff;
	v33 =	vand.u32 $0x7F, v33  }
0x6a: {  	v19 =	vld.idx.msk [tilespmem:v19+s12+$0x0], $0xffff;
	v35 =	vadd.s32 s28, v0;
	v33 =	vor.u32 v3, v33  }
0x6b: {  	v35 =	vand.u32 $0x7F, v35;
	v36 =	vld.idx.msk [tilespmem:v4+s11+$0x0], $0xffff  }
0x6c: {  	v3 =	vor.u32 v3, v35;
	v4 =	vld.idx.msk [tilespmem:v4+s12+$0x0], $0xffff  }
0x6d: {  	v5 =	vmul.f32 v7, v5;
	v10 =	vmul.f32 v13, v10;
	v41 =	vld.idx.msk [tilespmem:v31+s11+$0x0], $0xffff  }
0x6e: {  	v6 =	vmul.f32 v8, v6;
	v43 =	vmul.f32 v18, v11;
	v42 =	vld.idx.msk [tilespmem:v31+s12+$0x0], $0xffff  }
0x6f: {  	v46 =	vmul.f32 v24, v21;
	v14 =	vmul.f32 v20, v14;
	v44 =	vld.idx.msk [tilespmem:v33+s11+$0x0], $0xffff  }
0x70: {  	v48 =	vmul.f32 v26, v23;
	v50 =	vmul.f32 v27, v25;
	v45 =	vld.idx.msk [tilespmem:v33+s12+$0x0], $0xffff  }
0x71: {  	v49 =	vmul.f32 v40, v34;
	v47 =	vld.idx.msk [tilespmem:v3+s11+$0x0], $0xffff;
	v4 =	vmul.f32 v4, v36  }
0x72: {  	v5 =	vadd.f32 v5, v9;
	v52 =	vadd.f32 v50, v16;
	v53 =	vmul.f32 v63, v32;
	v3 =	vld.idx.msk [tilespmem:v3+s12+$0x0], $0xffff  }
0x73: {  	v51 =	vadd.f32 v49, v15;
	v4 =	vadd.f32 v4, v17;
	v7 =	vmul.f32 v42, v41  }
0x74: {  	v5 =	vadd.f32 v43, v5;
	v57 =	vmul.f32 v29, v22;
	v56 =	vadd.f32 v48, v52  }
0x75: {  	v55 =	vadd.f32 v53, v51;
	v54 =	vmul.f32 v45, v44;
	v4 =	vadd.f32 v7, v4  }
0x76: {  	v60 =	vmul.f32 v19, v12;
	v5 =	vadd.f32 v10, v5;
	v59 =	vadd.f32 v46, v56  }
0x77: {  	v58 =	vadd.f32 v57, v55;
	v3 =	vmul.f32 v3, v47;
	v4 =	vadd.f32 v54, v4  }
0x78: {  	v5 =	vadd.f32 v6, v5;
	v62 =	vadd.f32 v14, v59  }
0x79: {  	v61 =	vadd.f32 v60, v58;
	v3 =	vadd.f32 v3, v4;
	_ =	sdelay $0x1  }
0x7a: {  	v4 =	vadd.f32 v62, v61;
	v3 =	vadd.f32 v3, v5;
	_ =	sdelay $0x1  }
0x7b: {  	v3 =	vadd.f32 v4, v3;
	_ =	sdelay $0x1  }
0x7c: {  	v4 =	vand.u32 $0x7FFFFFFF, v3  }
0x7d: {  	v4 =	vsub.f32 $0.0e+00, v4;
	_ =	sdelay $0x1  }
0x7e: {  	v4 =	vmul.f32 $1.442695020e+00, v4;
	_ =	sdelay $0x1  }
0x7f: {  	(erf) = vpow2.f32 v4;
	_ =	sdelay $0x8  }
0x80: {  	v4 =	vpop (erf)  }
0x81: {  	v63 =	vadd.f32 $1.000000000e+00, v4;
	_ =	sdelay $0x1  }
0x82: {  	(erf) = vrcp.f32 v63;
	_ =	sdelay $0x6  }
0x83: {  	s0 =	sadd.s32 $0x1, s0  }
0x84: {  	p0 =	sne.s32 s0, $0x5  }
.Ltmp1:
0x85: {  	v5 =	vpop (erf);
	(pc) =	sbr.rel @p0 .LBB2_3-.Ltmp1, $4  }
0x86: {  	v4 =	vmul.f32 v5, v4  }
0x87: {  	vm0 =	vge.f32 v3, $0.0e+00  }
0x88: {  	v3 =	vsel vm0, v5, v4  }
0x89: {  	[tilespmem:v2+s13+$0x0 ss:$0x1] =	vst.idx.msk $0xffff, v3  }
0x8a: {  	s31 =	smul.u32 $0x180, s30;
	_ =	sdelay $0x1  }
0x8b: {  	s0 =	sadd.s32 $0x180, s31  }
0x8c: {  	[tilespmem:s11], [sflag:$0x1] =	stream.indirect.gather [hbm4b:s2+s10], $0x80, s0, s10, $0xb8;
	[tilespmem:$0x19780] =	vst v63  }
0x8d: {  	s28 =	sadd.s32 $0x4180, s31  }
0x8e: {  	[tilespmem:s12], [sflag:$0x2] =	stream.indirect.gather [hbm4b:s2+s10], $0x80, s28, s10, $0xb8;
	[tilespmem:$0x19780] =	vst v63  }
0x8f: {  	_ =	swait.ge [sflag:s23], $0x2800  }
0x90: {  	[sflag:s23] =	ssyncset.done $0x0  }
0x91: {  	[sflag:s23] =	ssyncadd.s32 $0xFFFFD800  }
0x92: {  	_ =	swait.ge [sflag:s24], $0x2800  }
0x93: {  	s4 =	sadd.s32 $0x17050, s1;
	[sflag:s24] =	ssyncset.done $0x0  }
0x94: {  	s13 =	simm.s32 $0x0;
	v2 =	vmov s4;
	s0 =	simm.s32 $0x0;
	[sflag:s24] =	ssyncadd.s32 $0xFFFFD800  }
.LBB2_7:
0x95: {  	s15 =	sshll.u32 s13, $0x4  }
0x96: {  	s5 =	simm.s32 $0xF;
	v3 =	vmov s15  }
0x97: {  	s9 =	simm.s32 $0xB;
	v10 =	vadd.s32 s5, v0;
	v3 =	vshll.u32 v3, $0x7  }
0x98: {  	v11 =	vadd.s32 s9, v0;
	v10 =	vand.u32 $0x7F, v10;
	v3 =	vor.u32 v1, v3  }
0x99: {  	v11 =	vand.u32 $0x7F, v11;
	v15 =	vor.u32 v3, v10  }
0x9a: {  	s4 =	simm.s32 $0xC;
	v16 =	vor.u32 v3, v11  }
0x9b: {  	s17 =	simm.s32 $0x8;
	v5 =	vadd.s32 s4, v0;
	v4 =	vor.u32 v0, v3  }
0x9c: {  	v7 =	vadd.s32 s17, v0;
	v5 =	vand.u32 $0x7F, v5;
	v6 =	vor.u32 s0, v4  }
0x9d: {  	s19 =	simm.s32 $0x4;
	v8 =	vor.u32 v3, v5;
	v5 =	vand.u32 $0x7F, v7  }
0x9e: {  	v7 =	vadd.s32 s19, v0;
	v9 =	vor.u32 v3, v5;
	v20 =	vld.idx.msk [tilespmem:v15+s16+$0x0], $0xffff  }
0x9f: {  	v7 =	vand.u32 $0x7F, v7;
	v21 =	vld.idx.msk [tilespmem:v16+s14+$0x0], $0xffff  }
0xa0: {  	v12 =	vor.u32 v3, v7;
	v24 =	vld.idx.msk [tilespmem:v16+s16+$0x0], $0xffff  }
0xa1: {  	v5 =	vld.idx.msk [tilespmem:v6+s14+$0x0], $0xffff  }
0xa2: {  	s17 =	simm.s32 $0x7;
	v7 =	vld.idx.msk [tilespmem:v6+s16+$0x0], $0xffff  }
0xa3: {  	v14 =	vadd.s32 s17, v0;
	v10 =	vld.idx.msk [tilespmem:v9+s14+$0x0], $0xffff  }
0xa4: {  	s19 =	simm.s32 $0x3;
	v13 =	vld.idx.msk [tilespmem:v9+s16+$0x0], $0xffff;
	v9 =	vand.u32 $0x7F, v14  }
0xa5: {  	v14 =	vadd.s32 s19, v0;
	v11 =	vld.idx.msk [tilespmem:v12+s14+$0x0], $0xffff;
	v9 =	vor.u32 v3, v9  }
0xa6: {  	s5 =	simm.s32 $0xE;
	v18 =	vld.idx.msk [tilespmem:v12+s16+$0x0], $0xffff;
	v12 =	vand.u32 $0x7F, v14  }
0xa7: {  	s9 =	simm.s32 $0xA;
	v17 =	vadd.s32 s5, v0;
	v6 =	vld.idx.msk [tilespmem:v8+s14+$0x0], $0xffff;
	v12 =	vor.u32 v3, v12  }
0xa8: {  	v17 =	vand.u32 $0x7F, v17;
	v14 =	vld.idx.msk [tilespmem:v15+s14+$0x0], $0xffff;
	v15 =	vadd.s32 s9, v0  }
0xa9: {  	v19 =	vor.u32 v3, v17;
	v8 =	vld.idx.msk [tilespmem:v8+s16+$0x0], $0xffff;
	s9 =	simm.s32 $0x6;
	v15 =	vand.u32 $0x7F, v15  }
0xaa: {  	v29 =	vor.u32 v3, v15;
	v15 =	vadd.s32 s9, v0;
	v23 =	vld.idx.msk [tilespmem:v9+s14+$0x0], $0xffff  }
0xab: {  	s17 =	simm.s32 $0x2;
	v15 =	vand.u32 $0x7F, v15;
	v26 =	vld.idx.msk [tilespmem:v9+s16+$0x0], $0xffff  }
0xac: {  	v16 =	vadd.s32 s17, v0;
	s19 =	simm.s32 $0x1;
	v30 =	vor.u32 v3, v15;
	v25 =	vld.idx.msk [tilespmem:v12+s14+$0x0], $0xffff  }
0xad: {  	v16 =	vand.u32 $0x7F, v16;
	v17 =	vadd.s32 s19, v0;
	v27 =	vld.idx.msk [tilespmem:v12+s16+$0x0], $0xffff  }
0xae: {  	v28 =	vor.u32 v3, v16;
	v16 =	vimm.f32 $0.0e+00;
	v31 =	vand.u32 $0x7F, v17;
	v12 =	vld.idx.msk [tilespmem:v19+s14+$0x0], $0xffff  }
0xaf: {  	s28 =	simm.s32 $0x5;
	s17 =	simm.s32 $0x0;
	s19 =	simm.s32 $0x10;
	v17 =	vimm.f32 $0.0e+00;
	v15 =	vimm.f32 $0.0e+00;
	v9 =	vimm.f32 $0.0e+00;
	v22 =	vld.idx.msk [tilespmem:v29+s14+$0x0], $0xffff  }
.LBB2_8:
0xb0: {  	p0 =	slt.u32 s19, $0x70;
	v31 =	vor.u32 v3, v31;
	v32 =	vadd.s32 s28, v0;
	v29 =	vld.idx.msk [tilespmem:v29+s16+$0x0], $0xffff  }
0xb1: {  	s4 =	sadd.s32 $0x9, s17;
	v32 =	vand.u32 $0x7F, v32;
	v33 =	vld.idx.msk [tilespmem:v30+s14+$0x0], $0xffff  }
0xb2: {  	s9 =	sadd.s32 $0xC, s19;
	v34 =	vadd.s32 s4, v0;
	v32 =	vor.u32 v3, v32;
	v30 =	vld.idx.msk [tilespmem:v30+s16+$0x0], $0xffff  }
0xb3: {  	v35 =	vor.u32 s19, v4;
	s4 =	sadd.s32 $0x8, s19;
	v36 =	vadd.s32 s9, v0;
	s9 =	sadd.s32 $0xD, s17;
	s17 =	smov.u32 s19;
	v34 =	vand.u32 $0x7F, v34;
	v37 =	vld.idx.msk [tilespmem:v28+s14+$0x0], $0xffff  }
0xb4: {  	s28 =	sadd.s32 $0x4, s19;
	v38 =	vadd.s32 s4, v0;
	v39 =	vadd.s32 s9, v0;
	v34 =	vor.u32 v3, v34;
	v28 =	vld.idx.msk [tilespmem:v28+s16+$0x0], $0xffff  }
0xb5: {  	v40 =	vadd.s32 s28, v0;
	v36 =	vand.u32 $0x7F, v36;
	v39 =	vand.u32 $0x7F, v39;
	v41 =	vld.idx.msk [tilespmem:v31+s14+$0x0], $0xffff  }
0xb6: {  	v40 =	vand.u32 $0x7F, v40;
	v38 =	vand.u32 $0x7F, v38;
	v39 =	vor.u32 v3, v39;
	v31 =	vld.idx.msk [tilespmem:v31+s16+$0x0], $0xffff  }
0xb7: {  	v7 =	vmul.f32 v7, v5;
	v36 =	vor.u32 v3, v36;
	v38 =	vor.u32 v3, v38;
	v42 =	vld.idx.msk [tilespmem:v32+s14+$0x0], $0xffff  }
0xb8: {  	v13 =	vmul.f32 v13, v10;
	v43 =	vmul.f32 v8, v6;
	s4 =	sadd.s32 $0xB, s19;
	s9 =	sadd.s32 $0xF, s19;
	v40 =	vor.u32 v3, v40;
	v32 =	vld.idx.msk [tilespmem:v32+s16+$0x0], $0xffff  }
0xb9: {  	s5 =	sadd.s32 $0x7, s19;
	v8 =	vmul.f32 v18, v11;
	s28 =	sadd.s32 $0x3, s19;
	v5 =	vadd.s32 s4, v0;
	v6 =	vadd.s32 s9, v0;
	v10 =	vld.idx.msk [tilespmem:v34+s14+$0x0], $0xffff  }
0xba: {  	v18 =	vadd.s32 s5, v0;
	v44 =	vadd.s32 s28, v0;
	v6 =	vand.u32 $0x7F, v6;
	v11 =	vld.idx.msk [tilespmem:v34+s16+$0x0], $0xffff  }
0xbb: {  	v21 =	vmul.f32 v24, v21;
	v14 =	vmul.f32 v20, v14;
	v5 =	vand.u32 $0x7F, v5;
	v24 =	vld.idx.msk [tilespmem:v39+s14+$0x0], $0xffff  }
0xbc: {  	v23 =	vmul.f32 v26, v23;
	v20 =	vor.u32 v3, v6;
	v6 =	vmul.f32 v31, v41;
	v26 =	vld.idx.msk [tilespmem:v39+s16+$0x0], $0xffff  }
0xbd: {  	v25 =	vmul.f32 v27, v25;
	v28 =	vmul.f32 v28, v37;
	v31 =	vor.u32 v3, v5;
	v19 =	vld.idx.msk [tilespmem:v19+s16+$0x0], $0xffff  }
0xbe: {  	v9 =	vadd.f32 v7, v9;
	v17 =	vadd.f32 v6, v17;
	v27 =	vmul.f32 v32, v42;
	v5 =	vld.idx.msk [tilespmem:v35+s14+$0x0], $0xffff  }
0xbf: {  	v16 =	vadd.f32 v25, v16;
	v25 =	vmul.f32 v30, v33;
	v15 =	vadd.f32 v28, v15;
	v7 =	vld.idx.msk [tilespmem:v35+s16+$0x0], $0xffff  }
0xc0: {  	v9 =	vadd.f32 v8, v9;
	v17 =	vadd.f32 v27, v17;
	v11 =	vmul.f32 v11, v10;
	v6 =	vld.idx.msk [tilespmem:v36+s14+$0x0], $0xffff  }
0xc1: {  	v22 =	vmul.f32 v29, v22;
	v16 =	vadd.f32 v23, v16;
	v15 =	vadd.f32 v25, v15;
	v8 =	vld.idx.msk [tilespmem:v36+s16+$0x0], $0xffff  }
0xc2: {  	v9 =	vadd.f32 v13, v9;
	v17 =	vadd.f32 v11, v17;
	v23 =	vmul.f32 v26, v24;
	v10 =	vld.idx.msk [tilespmem:v38+s14+$0x0], $0xffff  }
0xc3: {  	v16 =	vadd.f32 v21, v16;
	v15 =	vadd.f32 v22, v15;
	v12 =	vmul.f32 v19, v12;
	v13 =	vld.idx.msk [tilespmem:v38+s16+$0x0], $0xffff  }
0xc4: {  	v9 =	vadd.f32 v43, v9;
	v19 =	vand.u32 $0x7F, v18;
	v17 =	vadd.f32 v23, v17;
	v11 =	vld.idx.msk [tilespmem:v40+s14+$0x0], $0xffff  }
0xc5: {  	v16 =	vadd.f32 v14, v16;
	v22 =	vor.u32 v3, v19;
	v15 =	vadd.f32 v12, v15;
	v18 =	vld.idx.msk [tilespmem:v40+s16+$0x0], $0xffff  }
0xc6: {  	s4 =	sadd.s32 $0xE, s19;
	v12 =	vand.u32 $0x7F, v44;
	v14 =	vld.idx.msk [tilespmem:v20+s14+$0x0], $0xffff  }
0xc7: {  	s5 =	sadd.s32 $0xA, s19;
	v19 =	vadd.s32 s4, v0;
	v12 =	vor.u32 v3, v12;
	v20 =	vld.idx.msk [tilespmem:v20+s16+$0x0], $0xffff  }
0xc8: {  	v23 =	vadd.s32 s5, v0;
	v19 =	vand.u32 $0x7F, v19;
	v21 =	vld.idx.msk [tilespmem:v31+s14+$0x0], $0xffff  }
0xc9: {  	s4 =	sadd.s32 $0x6, s19;
	v25 =	vand.u32 $0x7F, v23;
	v19 =	vor.u32 v3, v19;
	v24 =	vld.idx.msk [tilespmem:v31+s16+$0x0], $0xffff  }
0xca: {  	v26 =	vadd.s32 s4, v0;
	v29 =	vor.u32 v3, v25;
	v23 =	vld.idx.msk [tilespmem:v22+s14+$0x0], $0xffff  }
.Ltmp2:
0xcb: {  	s4 =	sadd.s32 $0x2, s19;
	v27 =	vand.u32 $0x7F, v26;
	v26 =	vld.idx.msk [tilespmem:v22+s16+$0x0], $0xffff;
	(pc) =	sbr.rel @p0 .LBB2_8-.Ltmp2, $4  }
0xcc: {  	v30 =	vor.u32 v3, v27;
	v22 =	vadd.s32 s4, v0;
	v25 =	vld.idx.msk [tilespmem:v12+s14+$0x0], $0xffff  }
0xcd: {  	s4 =	sadd.s32 $0x1, s19;
	v22 =	vand.u32 $0x7F, v22;
	v27 =	vld.idx.msk [tilespmem:v12+s16+$0x0], $0xffff  }
0xce: {  	v31 =	vadd.s32 s4, v0;
	v28 =	vor.u32 v3, v22;
	v12 =	vld.idx.msk [tilespmem:v19+s14+$0x0], $0xffff  }
0xcf: {  	s28 =	sadd.s32 $0x5, s17;
	s19 =	sadd.s32 $0x10, s19;
	v31 =	vand.u32 $0x7F, v31;
	v22 =	vld.idx.msk [tilespmem:v29+s14+$0x0], $0xffff  }
0xd0: {  	_ =	sdelay $0x3  }
0xd1: {  	v29 =	vld.idx.msk [tilespmem:v29+s16+$0x0], $0xffff  }
0xd2: {  	v4 =	vor.u32 v3, v31;
	v62 =	vadd.s32 s28, v0;
	v32 =	vld.idx.msk [tilespmem:v30+s14+$0x0], $0xffff  }
0xd3: {  	s4 =	sadd.s32 $0x9, s17;
	v63 =	vld.idx.msk [tilespmem:v30+s16+$0x0], $0xffff;
	v31 =	vand.u32 $0x7F, v62  }
0xd4: {  	v34 =	vld.idx.msk [tilespmem:v28+s14+$0x0], $0xffff;
	v33 =	vadd.s32 s4, v0;
	v31 =	vor.u32 v3, v31  }
0xd5: {  	s28 =	sadd.s32 $0xD, s17;
	v40 =	vld.idx.msk [tilespmem:v28+s16+$0x0], $0xffff;
	v33 =	vand.u32 $0x7F, v33  }
0xd6: {  	v19 =	vld.idx.msk [tilespmem:v19+s16+$0x0], $0xffff;
	v35 =	vadd.s32 s28, v0;
	v33 =	vor.u32 v3, v33  }
0xd7: {  	v35 =	vand.u32 $0x7F, v35;
	v36 =	vld.idx.msk [tilespmem:v4+s14+$0x0], $0xffff  }
0xd8: {  	v3 =	vor.u32 v3, v35;
	v4 =	vld.idx.msk [tilespmem:v4+s16+$0x0], $0xffff  }
0xd9: {  	v5 =	vmul.f32 v7, v5;
	v10 =	vmul.f32 v13, v10;
	v41 =	vld.idx.msk [tilespmem:v31+s14+$0x0], $0xffff  }
0xda: {  	v6 =	vmul.f32 v8, v6;
	v43 =	vmul.f32 v18, v11;
	v42 =	vld.idx.msk [tilespmem:v31+s16+$0x0], $0xffff  }
0xdb: {  	v46 =	vmul.f32 v24, v21;
	v14 =	vmul.f32 v20, v14;
	v44 =	vld.idx.msk [tilespmem:v33+s14+$0x0], $0xffff  }
0xdc: {  	v48 =	vmul.f32 v26, v23;
	v50 =	vmul.f32 v27, v25;
	v45 =	vld.idx.msk [tilespmem:v33+s16+$0x0], $0xffff  }
0xdd: {  	v49 =	vmul.f32 v40, v34;
	v47 =	vld.idx.msk [tilespmem:v3+s14+$0x0], $0xffff;
	v4 =	vmul.f32 v4, v36  }
0xde: {  	v5 =	vadd.f32 v5, v9;
	v52 =	vadd.f32 v50, v16;
	v53 =	vmul.f32 v63, v32;
	v3 =	vld.idx.msk [tilespmem:v3+s16+$0x0], $0xffff  }
0xdf: {  	v51 =	vadd.f32 v49, v15;
	v4 =	vadd.f32 v4, v17;
	v7 =	vmul.f32 v42, v41  }
0xe0: {  	v5 =	vadd.f32 v43, v5;
	v57 =	vmul.f32 v29, v22;
	v56 =	vadd.f32 v48, v52  }
0xe1: {  	v55 =	vadd.f32 v53, v51;
	v54 =	vmul.f32 v45, v44;
	v4 =	vadd.f32 v7, v4  }
0xe2: {  	v60 =	vmul.f32 v19, v12;
	v5 =	vadd.f32 v10, v5;
	v59 =	vadd.f32 v46, v56  }
0xe3: {  	v58 =	vadd.f32 v57, v55;
	v3 =	vmul.f32 v3, v47;
	v4 =	vadd.f32 v54, v4  }
0xe4: {  	v5 =	vadd.f32 v6, v5;
	v62 =	vadd.f32 v14, v59  }
0xe5: {  	v61 =	vadd.f32 v60, v58;
	v3 =	vadd.f32 v3, v4;
	_ =	sdelay $0x1  }
0xe6: {  	v4 =	vadd.f32 v62, v61;
	v3 =	vadd.f32 v3, v5;
	_ =	sdelay $0x1  }
0xe7: {  	v3 =	vadd.f32 v4, v3;
	_ =	sdelay $0x1  }
0xe8: {  	v4 =	vand.u32 $0x7FFFFFFF, v3  }
0xe9: {  	v4 =	vsub.f32 $0.0e+00, v4;
	_ =	sdelay $0x1  }
0xea: {  	v4 =	vmul.f32 $1.442695020e+00, v4;
	_ =	sdelay $0x1  }
0xeb: {  	(erf) = vpow2.f32 v4;
	_ =	sdelay $0x8  }
0xec: {  	v4 =	vpop (erf)  }
0xed: {  	v63 =	vadd.f32 $1.000000000e+00, v4;
	_ =	sdelay $0x1  }
0xee: {  	(erf) = vrcp.f32 v63;
	_ =	sdelay $0x6  }
0xef: {  	s13 =	sadd.s32 $0x1, s13  }
0xf0: {  	p0 =	sne.s32 s13, $0x5  }
.Ltmp3:
0xf1: {  	v5 =	vpop (erf);
	(pc) =	sbr.rel @p0 .LBB2_7-.Ltmp3, $4  }
0xf2: {  	v4 =	vmul.f32 v5, v4  }
0xf3: {  	vm0 =	vge.f32 v3, $0.0e+00  }
0xf4: {  	v3 =	vsel vm0, v5, v4  }
0xf5: {  	[tilespmem:v2+s15+$0x0 ss:$0x1] =	vst.idx.msk $0xffff, v3  }
0xf6: {  	s0 =	sadd.s32 $0x200, s31  }
0xf7: {  	[tilespmem:s14], [sflag:$0x3] =	stream.indirect.gather [hbm4b:s2+s10], $0x80, s0, s10, $0xb8;
	[tilespmem:$0x19780] =	vst v63  }
0xf8: {  	s28 =	sadd.s32 $0x4200, s31  }
0xf9: {  	[tilespmem:s16], [sflag:$0x4] =	stream.indirect.gather [hbm4b:s2+s10], $0x80, s28, s10, $0xb8;
	[tilespmem:$0x19780] =	vst v63  }
0xfa: {  	_ =	swait.ge [sflag:s25], $0x2800  }
0xfb: {  	[sflag:s25] =	ssyncset.done $0x0  }
0xfc: {  	[sflag:s25] =	ssyncadd.s32 $0xFFFFD800  }
0xfd: {  	_ =	swait.ge [sflag:s26], $0x2800  }
0xfe: {  	s1 =	sadd.s32 $0x170A0, s1;
	[sflag:s26] =	ssyncset.done $0x0  }
0xff: {  	s0 =	simm.s32 $0x0;
	v2 =	vmov s1;
	s1 =	simm.s32 $0x0;
	[sflag:s26] =	ssyncadd.s32 $0xFFFFD800  }
.LBB2_11:
0x100: {  	s13 =	sshll.u32 s1, $0x4  }
0x101: {  	s19 =	simm.s32 $0xF;
	v3 =	vmov s13  }
0x102: {  	s28 =	simm.s32 $0xB;
	v10 =	vadd.s32 s19, v0;
	v3 =	vshll.u32 v3, $0x7  }
0x103: {  	v11 =	vadd.s32 s28, v0;
	v10 =	vand.u32 $0x7F, v10;
	v3 =	vor.u32 v1, v3  }
0x104: {  	v11 =	vand.u32 $0x7F, v11;
	v15 =	vor.u32 v3, v10  }
0x105: {  	s4 =	simm.s32 $0xC;
	v16 =	vor.u32 v3, v11  }
0x106: {  	s15 =	simm.s32 $0x8;
	v5 =	vadd.s32 s4, v0;
	v4 =	vor.u32 v0, v3  }
0x107: {  	v7 =	vadd.s32 s15, v0;
	v5 =	vand.u32 $0x7F, v5;
	v6 =	vor.u32 s0, v4  }
0x108: {  	s17 =	simm.s32 $0x4;
	v8 =	vor.u32 v3, v5;
	v5 =	vand.u32 $0x7F, v7  }
0x109: {  	v7 =	vadd.s32 s17, v0;
	v9 =	vor.u32 v3, v5;
	v20 =	vld.idx.msk [tilespmem:v15+s20+$0x0], $0xffff  }
0x10a: {  	v7 =	vand.u32 $0x7F, v7;
	v21 =	vld.idx.msk [tilespmem:v16+s18+$0x0], $0xffff  }
0x10b: {  	v12 =	vor.u32 v3, v7;
	v24 =	vld.idx.msk [tilespmem:v16+s20+$0x0], $0xffff  }
0x10c: {  	v5 =	vld.idx.msk [tilespmem:v6+s18+$0x0], $0xffff  }
0x10d: {  	s5 =	simm.s32 $0x7;
	v7 =	vld.idx.msk [tilespmem:v6+s20+$0x0], $0xffff  }
0x10e: {  	v14 =	vadd.s32 s5, v0;
	v10 =	vld.idx.msk [tilespmem:v9+s18+$0x0], $0xffff  }
0x10f: {  	s9 =	simm.s32 $0x3;
	v13 =	vld.idx.msk [tilespmem:v9+s20+$0x0], $0xffff;
	v9 =	vand.u32 $0x7F, v14  }
0x110: {  	v14 =	vadd.s32 s9, v0;
	v11 =	vld.idx.msk [tilespmem:v12+s18+$0x0], $0xffff;
	v9 =	vor.u32 v3, v9  }
0x111: {  	s15 =	simm.s32 $0xE;
	v18 =	vld.idx.msk [tilespmem:v12+s20+$0x0], $0xffff;
	v12 =	vand.u32 $0x7F, v14  }
0x112: {  	s5 =	simm.s32 $0xA;
	v17 =	vadd.s32 s15, v0;
	v6 =	vld.idx.msk [tilespmem:v8+s18+$0x0], $0xffff;
	v12 =	vor.u32 v3, v12  }
0x113: {  	v17 =	vand.u32 $0x7F, v17;
	v14 =	vld.idx.msk [tilespmem:v15+s18+$0x0], $0xffff;
	v15 =	vadd.s32 s5, v0  }
0x114: {  	v19 =	vor.u32 v3, v17;
	s17 =	simm.s32 $0x6;
	v8 =	vld.idx.msk [tilespmem:v8+s20+$0x0], $0xffff;
	v15 =	vand.u32 $0x7F, v15  }
0x115: {  	v29 =	vor.u32 v3, v15;
	v15 =	vadd.s32 s17, v0;
	v23 =	vld.idx.msk [tilespmem:v9+s18+$0x0], $0xffff  }
0x116: {  	s19 =	simm.s32 $0x2;
	v15 =	vand.u32 $0x7F, v15;
	v26 =	vld.idx.msk [tilespmem:v9+s20+$0x0], $0xffff  }
0x117: {  	s28 =	simm.s32 $0x1;
	v16 =	vadd.s32 s19, v0;
	v30 =	vor.u32 v3, v15;
	v25 =	vld.idx.msk [tilespmem:v12+s18+$0x0], $0xffff  }
0x118: {  	v17 =	vadd.s32 s28, v0;
	v16 =	vand.u32 $0x7F, v16;
	v27 =	vld.idx.msk [tilespmem:v12+s20+$0x0], $0xffff  }
0x119: {  	v31 =	vand.u32 $0x7F, v17;
	v17 =	vimm.f32 $0.0e+00;
	v28 =	vor.u32 v3, v16;
	v12 =	vld.idx.msk [tilespmem:v19+s18+$0x0], $0xffff  }
0x11a: {  	s15 =	simm.s32 $0x0;
	s19 =	simm.s32 $0x5;
	v16 =	vimm.f32 $0.0e+00;
	s17 =	simm.s32 $0x10;
	v15 =	vimm.f32 $0.0e+00;
	v9 =	vimm.f32 $0.0e+00;
	v22 =	vld.idx.msk [tilespmem:v29+s18+$0x0], $0xffff  }
.LBB2_12:
0x11b: {  	p0 =	slt.u32 s17, $0x70;
	v31 =	vor.u32 v3, v31;
	v32 =	vadd.s32 s19, v0;
	v29 =	vld.idx.msk [tilespmem:v29+s20+$0x0], $0xffff  }
0x11c: {  	s4 =	sadd.s32 $0x9, s15;
	v32 =	vand.u32 $0x7F, v32;
	v33 =	vld.idx.msk [tilespmem:v30+s18+$0x0], $0xffff  }
0x11d: {  	s5 =	sadd.s32 $0xC, s17;
	v34 =	vadd.s32 s4, v0;
	v32 =	vor.u32 v3, v32;
	v30 =	vld.idx.msk [tilespmem:v30+s20+$0x0], $0xffff  }
0x11e: {  	v35 =	vor.u32 s17, v4;
	s4 =	sadd.s32 $0x8, s17;
	v36 =	vadd.s32 s5, v0;
	s5 =	sadd.s32 $0xD, s15;
	s15 =	smov.u32 s17;
	v34 =	vand.u32 $0x7F, v34;
	v37 =	vld.idx.msk [tilespmem:v28+s18+$0x0], $0xffff  }
0x11f: {  	s9 =	sadd.s32 $0x4, s17;
	v38 =	vadd.s32 s4, v0;
	v39 =	vadd.s32 s5, v0;
	v34 =	vor.u32 v3, v34;
	v28 =	vld.idx.msk [tilespmem:v28+s20+$0x0], $0xffff  }
0x120: {  	v40 =	vadd.s32 s9, v0;
	v36 =	vand.u32 $0x7F, v36;
	v39 =	vand.u32 $0x7F, v39;
	v41 =	vld.idx.msk [tilespmem:v31+s18+$0x0], $0xffff  }
0x121: {  	v40 =	vand.u32 $0x7F, v40;
	v38 =	vand.u32 $0x7F, v38;
	v39 =	vor.u32 v3, v39;
	v31 =	vld.idx.msk [tilespmem:v31+s20+$0x0], $0xffff  }
0x122: {  	v7 =	vmul.f32 v7, v5;
	v36 =	vor.u32 v3, v36;
	v38 =	vor.u32 v3, v38;
	v42 =	vld.idx.msk [tilespmem:v32+s18+$0x0], $0xffff  }
0x123: {  	v13 =	vmul.f32 v13, v10;
	v43 =	vmul.f32 v8, v6;
	s4 =	sadd.s32 $0xB, s17;
	s5 =	sadd.s32 $0xF, s17;
	v40 =	vor.u32 v3, v40;
	v32 =	vld.idx.msk [tilespmem:v32+s20+$0x0], $0xffff  }
0x124: {  	s19 =	sadd.s32 $0x7, s17;
	v8 =	vmul.f32 v18, v11;
	s9 =	sadd.s32 $0x3, s17;
	v5 =	vadd.s32 s4, v0;
	v6 =	vadd.s32 s5, v0;
	v10 =	vld.idx.msk [tilespmem:v34+s18+$0x0], $0xffff  }
0x125: {  	v18 =	vadd.s32 s19, v0;
	v44 =	vadd.s32 s9, v0;
	v6 =	vand.u32 $0x7F, v6;
	v11 =	vld.idx.msk [tilespmem:v34+s20+$0x0], $0xffff  }
0x126: {  	v21 =	vmul.f32 v24, v21;
	v14 =	vmul.f32 v20, v14;
	v5 =	vand.u32 $0x7F, v5;
	v24 =	vld.idx.msk [tilespmem:v39+s18+$0x0], $0xffff  }
0x127: {  	v23 =	vmul.f32 v26, v23;
	v20 =	vor.u32 v3, v6;
	v6 =	vmul.f32 v31, v41;
	v26 =	vld.idx.msk [tilespmem:v39+s20+$0x0], $0xffff  }
0x128: {  	v25 =	vmul.f32 v27, v25;
	v28 =	vmul.f32 v28, v37;
	v31 =	vor.u32 v3, v5;
	v19 =	vld.idx.msk [tilespmem:v19+s20+$0x0], $0xffff  }
0x129: {  	v9 =	vadd.f32 v7, v9;
	v17 =	vadd.f32 v6, v17;
	v27 =	vmul.f32 v32, v42;
	v5 =	vld.idx.msk [tilespmem:v35+s18+$0x0], $0xffff  }
0x12a: {  	v16 =	vadd.f32 v25, v16;
	v25 =	vmul.f32 v30, v33;
	v15 =	vadd.f32 v28, v15;
	v7 =	vld.idx.msk [tilespmem:v35+s20+$0x0], $0xffff  }
0x12b: {  	v9 =	vadd.f32 v8, v9;
	v17 =	vadd.f32 v27, v17;
	v11 =	vmul.f32 v11, v10;
	v6 =	vld.idx.msk [tilespmem:v36+s18+$0x0], $0xffff  }
0x12c: {  	v22 =	vmul.f32 v29, v22;
	v16 =	vadd.f32 v23, v16;
	v15 =	vadd.f32 v25, v15;
	v8 =	vld.idx.msk [tilespmem:v36+s20+$0x0], $0xffff  }
0x12d: {  	v9 =	vadd.f32 v13, v9;
	v17 =	vadd.f32 v11, v17;
	v23 =	vmul.f32 v26, v24;
	v10 =	vld.idx.msk [tilespmem:v38+s18+$0x0], $0xffff  }
0x12e: {  	v16 =	vadd.f32 v21, v16;
	v15 =	vadd.f32 v22, v15;
	v12 =	vmul.f32 v19, v12;
	v13 =	vld.idx.msk [tilespmem:v38+s20+$0x0], $0xffff  }
0x12f: {  	v9 =	vadd.f32 v43, v9;
	v19 =	vand.u32 $0x7F, v18;
	v17 =	vadd.f32 v23, v17;
	v11 =	vld.idx.msk [tilespmem:v40+s18+$0x0], $0xffff  }
0x130: {  	v16 =	vadd.f32 v14, v16;
	v22 =	vor.u32 v3, v19;
	v15 =	vadd.f32 v12, v15;
	v18 =	vld.idx.msk [tilespmem:v40+s20+$0x0], $0xffff  }
0x131: {  	s4 =	sadd.s32 $0xE, s17;
	v12 =	vand.u32 $0x7F, v44;
	v14 =	vld.idx.msk [tilespmem:v20+s18+$0x0], $0xffff  }
0x132: {  	s5 =	sadd.s32 $0xA, s17;
	v19 =	vadd.s32 s4, v0;
	v12 =	vor.u32 v3, v12;
	v20 =	vld.idx.msk [tilespmem:v20+s20+$0x0], $0xffff  }
0x133: {  	v23 =	vadd.s32 s5, v0;
	v19 =	vand.u32 $0x7F, v19;
	v21 =	vld.idx.msk [tilespmem:v31+s18+$0x0], $0xffff  }
0x134: {  	s4 =	sadd.s32 $0x6, s17;
	v25 =	vand.u32 $0x7F, v23;
	v19 =	vor.u32 v3, v19;
	v24 =	vld.idx.msk [tilespmem:v31+s20+$0x0], $0xffff  }
0x135: {  	v26 =	vadd.s32 s4, v0;
	v29 =	vor.u32 v3, v25;
	v23 =	vld.idx.msk [tilespmem:v22+s18+$0x0], $0xffff  }
.Ltmp4:
0x136: {  	s4 =	sadd.s32 $0x2, s17;
	v27 =	vand.u32 $0x7F, v26;
	v26 =	vld.idx.msk [tilespmem:v22+s20+$0x0], $0xffff;
	(pc) =	sbr.rel @p0 .LBB2_12-.Ltmp4, $4  }
0x137: {  	v30 =	vor.u32 v3, v27;
	v22 =	vadd.s32 s4, v0;
	v25 =	vld.idx.msk [tilespmem:v12+s18+$0x0], $0xffff  }
0x138: {  	s4 =	sadd.s32 $0x1, s17;
	v22 =	vand.u32 $0x7F, v22;
	v27 =	vld.idx.msk [tilespmem:v12+s20+$0x0], $0xffff  }
0x139: {  	v31 =	vadd.s32 s4, v0;
	v28 =	vor.u32 v3, v22;
	v12 =	vld.idx.msk [tilespmem:v19+s18+$0x0], $0xffff  }
0x13a: {  	s19 =	sadd.s32 $0x5, s15;
	s17 =	sadd.s32 $0x10, s17;
	v31 =	vand.u32 $0x7F, v31;
	v22 =	vld.idx.msk [tilespmem:v29+s18+$0x0], $0xffff  }
0x13b: {  	_ =	sdelay $0x3  }
0x13c: {  	v29 =	vld.idx.msk [tilespmem:v29+s20+$0x0], $0xffff  }
0x13d: {  	v4 =	vor.u32 v3, v31;
	v62 =	vadd.s32 s19, v0;
	v32 =	vld.idx.msk [tilespmem:v30+s18+$0x0], $0xffff  }
0x13e: {  	s4 =	sadd.s32 $0x9, s15;
	v63 =	vld.idx.msk [tilespmem:v30+s20+$0x0], $0xffff;
	v31 =	vand.u32 $0x7F, v62  }
0x13f: {  	v34 =	vld.idx.msk [tilespmem:v28+s18+$0x0], $0xffff;
	v33 =	vadd.s32 s4, v0;
	v31 =	vor.u32 v3, v31  }
0x140: {  	s28 =	sadd.s32 $0xD, s15;
	v40 =	vld.idx.msk [tilespmem:v28+s20+$0x0], $0xffff;
	v33 =	vand.u32 $0x7F, v33  }
0x141: {  	v19 =	vld.idx.msk [tilespmem:v19+s20+$0x0], $0xffff;
	v35 =	vadd.s32 s28, v0;
	v33 =	vor.u32 v3, v33  }
0x142: {  	v35 =	vand.u32 $0x7F, v35;
	v36 =	vld.idx.msk [tilespmem:v4+s18+$0x0], $0xffff  }
0x143: {  	v3 =	vor.u32 v3, v35;
	v4 =	vld.idx.msk [tilespmem:v4+s20+$0x0], $0xffff  }
0x144: {  	v5 =	vmul.f32 v7, v5;
	v10 =	vmul.f32 v13, v10;
	v41 =	vld.idx.msk [tilespmem:v31+s18+$0x0], $0xffff  }
0x145: {  	v6 =	vmul.f32 v8, v6;
	v43 =	vmul.f32 v18, v11;
	v42 =	vld.idx.msk [tilespmem:v31+s20+$0x0], $0xffff  }
0x146: {  	v46 =	vmul.f32 v24, v21;
	v14 =	vmul.f32 v20, v14;
	v44 =	vld.idx.msk [tilespmem:v33+s18+$0x0], $0xffff  }
0x147: {  	v48 =	vmul.f32 v26, v23;
	v50 =	vmul.f32 v27, v25;
	v45 =	vld.idx.msk [tilespmem:v33+s20+$0x0], $0xffff  }
0x148: {  	v49 =	vmul.f32 v40, v34;
	v47 =	vld.idx.msk [tilespmem:v3+s18+$0x0], $0xffff;
	v4 =	vmul.f32 v4, v36  }
0x149: {  	v5 =	vadd.f32 v5, v9;
	v52 =	vadd.f32 v50, v16;
	v53 =	vmul.f32 v63, v32;
	v3 =	vld.idx.msk [tilespmem:v3+s20+$0x0], $0xffff  }
0x14a: {  	v51 =	vadd.f32 v49, v15;
	v4 =	vadd.f32 v4, v17;
	v7 =	vmul.f32 v42, v41  }
0x14b: {  	v5 =	vadd.f32 v43, v5;
	v57 =	vmul.f32 v29, v22;
	v56 =	vadd.f32 v48, v52  }
0x14c: {  	v55 =	vadd.f32 v53, v51;
	v54 =	vmul.f32 v45, v44;
	v4 =	vadd.f32 v7, v4  }
0x14d: {  	v60 =	vmul.f32 v19, v12;
	v5 =	vadd.f32 v10, v5;
	v59 =	vadd.f32 v46, v56  }
0x14e: {  	v58 =	vadd.f32 v57, v55;
	v3 =	vmul.f32 v3, v47;
	v4 =	vadd.f32 v54, v4  }
0x14f: {  	v5 =	vadd.f32 v6, v5;
	v62 =	vadd.f32 v14, v59  }
0x150: {  	v61 =	vadd.f32 v60, v58;
	v3 =	vadd.f32 v3, v4;
	_ =	sdelay $0x1  }
0x151: {  	v4 =	vadd.f32 v62, v61;
	v3 =	vadd.f32 v3, v5;
	_ =	sdelay $0x1  }
0x152: {  	v3 =	vadd.f32 v4, v3;
	_ =	sdelay $0x1  }
0x153: {  	v4 =	vand.u32 $0x7FFFFFFF, v3  }
0x154: {  	v4 =	vsub.f32 $0.0e+00, v4;
	_ =	sdelay $0x1  }
0x155: {  	v4 =	vmul.f32 $1.442695020e+00, v4;
	_ =	sdelay $0x1  }
0x156: {  	(erf) = vpow2.f32 v4;
	_ =	sdelay $0x8  }
0x157: {  	v4 =	vpop (erf)  }
0x158: {  	v63 =	vadd.f32 $1.000000000e+00, v4;
	_ =	sdelay $0x1  }
0x159: {  	(erf) = vrcp.f32 v63;
	_ =	sdelay $0x6  }
0x15a: {  	s1 =	sadd.s32 $0x1, s1  }
0x15b: {  	p0 =	sne.s32 s1, $0x5  }
.Ltmp5:
0x15c: {  	v5 =	vpop (erf);
	(pc) =	sbr.rel @p0 .LBB2_11-.Ltmp5, $4  }
0x15d: {  	v4 =	vmul.f32 v5, v4  }
0x15e: {  	vm0 =	vge.f32 v3, $0.0e+00  }
0x15f: {  	v3 =	vsel vm0, v5, v4  }
0x160: {  	[tilespmem:v2+s13+$0x0 ss:$0x1] =	vst.idx.msk $0xffff, v3  }
0x161: {  	p0 =	seq.s32 s30, $0x28  }
.Ltmp6:
0x162: {  	_ = 	snop;
	(pc) =	sbr.rel @p0 .LBB2_16-.Ltmp6, $1  }
0x163: {  	_ =	sdelay $0x3  }
.Ltmp7:
0x164: {  	(pc) =	sbr.rel .LBB2_2-.Ltmp7, $4  }
0x165: {  	s0 =	sadd.s32 $0x280, s31  }
0x166: {  	[tilespmem:s18], [sflag:$0x5] =	stream.indirect.gather [hbm4b:s2+s10], $0x80, s0, s10, $0xb8;
	[tilespmem:$0x19780] =	vst v63  }
0x167: {  	s31 =	sadd.s32 $0x4280, s31;
	s30 =	sadd.s32 $0x1, s30  }
0x168: {  	[tilespmem:s20], [sflag:$0x6] =	stream.indirect.gather [hbm4b:s2+s10], $0x80, s31, s10, $0xb8;
	[tilespmem:$0x19780] =	vst v63  }
.LBB2_16:
0x169: {  	_ =	swait.ge [sflag:s21], $0x2800  }
0x16a: {  	[sflag:s21] =	ssyncset.done $0x0  }
0x16b: {  	[sflag:s21] =	ssyncadd.s32 $0xFFFFD800  }
0x16c: {  	_ =	swait.ge [sflag:s22], $0x2800  }
0x16d: {  	[sflag:s22] =	ssyncset.done $0x0  }
0x16e: {  	s0 =	simm.s32 $0x0;
	s1 =	simm.s32 $0x0;
	[sflag:s22] =	ssyncadd.s32 $0xFFFFD800  }
.LBB2_17:
0x16f: {  	s13 =	sshll.u32 s1, $0x4  }
0x170: {  	s5 =	simm.s32 $0xF;
	v2 =	vmov s13  }
0x171: {  	s9 =	simm.s32 $0xB;
	v9 =	vadd.s32 s5, v0;
	v2 =	vshll.u32 v2, $0x7  }
0x172: {  	v10 =	vadd.s32 s9, v0;
	v9 =	vand.u32 $0x7F, v9;
	v2 =	vor.u32 v1, v2  }
0x173: {  	v10 =	vand.u32 $0x7F, v10;
	v14 =	vor.u32 v2, v9  }
0x174: {  	s4 =	simm.s32 $0xC;
	v15 =	vor.u32 v2, v10  }
0x175: {  	s30 =	simm.s32 $0x8;
	v4 =	vadd.s32 s4, v0;
	v3 =	vor.u32 v0, v2  }
0x176: {  	v6 =	vadd.s32 s30, v0;
	v4 =	vand.u32 $0x7F, v4;
	v5 =	vor.u32 s0, v3  }
0x177: {  	s31 =	simm.s32 $0x4;
	v7 =	vor.u32 v2, v4;
	v4 =	vand.u32 $0x7F, v6  }
0x178: {  	v6 =	vadd.s32 s31, v0;
	v8 =	vor.u32 v2, v4;
	v19 =	vld.idx.msk [tilespmem:v14+s12+$0x0], $0xffff  }
0x179: {  	v6 =	vand.u32 $0x7F, v6;
	v20 =	vld.idx.msk [tilespmem:v15+s11+$0x0], $0xffff  }
0x17a: {  	v11 =	vor.u32 v2, v6;
	v23 =	vld.idx.msk [tilespmem:v15+s12+$0x0], $0xffff  }
0x17b: {  	v4 =	vld.idx.msk [tilespmem:v5+s11+$0x0], $0xffff  }
0x17c: {  	s15 =	simm.s32 $0x7;
	v6 =	vld.idx.msk [tilespmem:v5+s12+$0x0], $0xffff  }
0x17d: {  	v13 =	vadd.s32 s15, v0;
	v9 =	vld.idx.msk [tilespmem:v8+s11+$0x0], $0xffff  }
0x17e: {  	s17 =	simm.s32 $0x3;
	v12 =	vld.idx.msk [tilespmem:v8+s12+$0x0], $0xffff;
	v8 =	vand.u32 $0x7F, v13  }
0x17f: {  	v13 =	vadd.s32 s17, v0;
	v10 =	vld.idx.msk [tilespmem:v11+s11+$0x0], $0xffff;
	v8 =	vor.u32 v2, v8  }
0x180: {  	s19 =	simm.s32 $0xE;
	v17 =	vld.idx.msk [tilespmem:v11+s12+$0x0], $0xffff;
	v11 =	vand.u32 $0x7F, v13  }
0x181: {  	s5 =	simm.s32 $0xA;
	v16 =	vadd.s32 s19, v0;
	v5 =	vld.idx.msk [tilespmem:v7+s11+$0x0], $0xffff;
	v11 =	vor.u32 v2, v11  }
0x182: {  	v16 =	vand.u32 $0x7F, v16;
	v13 =	vld.idx.msk [tilespmem:v14+s11+$0x0], $0xffff;
	v14 =	vadd.s32 s5, v0  }
0x183: {  	s28 =	simm.s32 $0x6;
	v18 =	vor.u32 v2, v16;
	v7 =	vld.idx.msk [tilespmem:v7+s12+$0x0], $0xffff;
	v14 =	vand.u32 $0x7F, v14  }
0x184: {  	v28 =	vor.u32 v2, v14;
	v14 =	vadd.s32 s28, v0;
	v22 =	vld.idx.msk [tilespmem:v8+s11+$0x0], $0xffff  }
0x185: {  	s30 =	simm.s32 $0x2;
	v14 =	vand.u32 $0x7F, v14;
	v25 =	vld.idx.msk [tilespmem:v8+s12+$0x0], $0xffff  }
0x186: {  	s31 =	simm.s32 $0x1;
	v15 =	vadd.s32 s30, v0;
	v29 =	vor.u32 v2, v14;
	v24 =	vld.idx.msk [tilespmem:v11+s11+$0x0], $0xffff  }
0x187: {  	v16 =	vadd.s32 s31, v0;
	v15 =	vand.u32 $0x7F, v15;
	v26 =	vld.idx.msk [tilespmem:v11+s12+$0x0], $0xffff  }
0x188: {  	v30 =	vand.u32 $0x7F, v16;
	v16 =	vimm.f32 $0.0e+00;
	v27 =	vor.u32 v2, v15;
	v11 =	vld.idx.msk [tilespmem:v18+s11+$0x0], $0xffff  }
0x189: {  	s19 =	simm.s32 $0x5;
	s15 =	simm.s32 $0x0;
	s17 =	simm.s32 $0x10;
	v15 =	vimm.f32 $0.0e+00;
	v14 =	vimm.f32 $0.0e+00;
	v8 =	vimm.f32 $0.0e+00;
	v21 =	vld.idx.msk [tilespmem:v28+s11+$0x0], $0xffff  }
.LBB2_18:
0x18a: {  	p0 =	slt.u32 s17, $0x70;
	v30 =	vor.u32 v2, v30;
	v31 =	vadd.s32 s19, v0;
	v28 =	vld.idx.msk [tilespmem:v28+s12+$0x0], $0xffff  }
0x18b: {  	s4 =	sadd.s32 $0x9, s15;
	v31 =	vand.u32 $0x7F, v31;
	v32 =	vld.idx.msk [tilespmem:v29+s11+$0x0], $0xffff  }
0x18c: {  	s5 =	sadd.s32 $0xC, s17;
	v33 =	vadd.s32 s4, v0;
	v31 =	vor.u32 v2, v31;
	v29 =	vld.idx.msk [tilespmem:v29+s12+$0x0], $0xffff  }
0x18d: {  	v34 =	vor.u32 s17, v3;
	s4 =	sadd.s32 $0x8, s17;
	v35 =	vadd.s32 s5, v0;
	s5 =	sadd.s32 $0xD, s15;
	s15 =	smov.u32 s17;
	v33 =	vand.u32 $0x7F, v33;
	v36 =	vld.idx.msk [tilespmem:v27+s11+$0x0], $0xffff  }
0x18e: {  	s9 =	sadd.s32 $0x4, s17;
	v37 =	vadd.s32 s4, v0;
	v38 =	vadd.s32 s5, v0;
	v33 =	vor.u32 v2, v33;
	v27 =	vld.idx.msk [tilespmem:v27+s12+$0x0], $0xffff  }
0x18f: {  	v39 =	vadd.s32 s9, v0;
	v35 =	vand.u32 $0x7F, v35;
	v38 =	vand.u32 $0x7F, v38;
	v40 =	vld.idx.msk [tilespmem:v30+s11+$0x0], $0xffff  }
0x190: {  	v39 =	vand.u32 $0x7F, v39;
	v37 =	vand.u32 $0x7F, v37;
	v38 =	vor.u32 v2, v38;
	v30 =	vld.idx.msk [tilespmem:v30+s12+$0x0], $0xffff  }
0x191: {  	v6 =	vmul.f32 v6, v4;
	v35 =	vor.u32 v2, v35;
	v37 =	vor.u32 v2, v37;
	v41 =	vld.idx.msk [tilespmem:v31+s11+$0x0], $0xffff  }
0x192: {  	v12 =	vmul.f32 v12, v9;
	v42 =	vmul.f32 v7, v5;
	s4 =	sadd.s32 $0xB, s17;
	s5 =	sadd.s32 $0xF, s17;
	v39 =	vor.u32 v2, v39;
	v31 =	vld.idx.msk [tilespmem:v31+s12+$0x0], $0xffff  }
0x193: {  	s19 =	sadd.s32 $0x7, s17;
	v7 =	vmul.f32 v17, v10;
	s9 =	sadd.s32 $0x3, s17;
	v4 =	vadd.s32 s4, v0;
	v5 =	vadd.s32 s5, v0;
	v9 =	vld.idx.msk [tilespmem:v33+s11+$0x0], $0xffff  }
0x194: {  	v17 =	vadd.s32 s19, v0;
	v43 =	vadd.s32 s9, v0;
	v5 =	vand.u32 $0x7F, v5;
	v10 =	vld.idx.msk [tilespmem:v33+s12+$0x0], $0xffff  }
0x195: {  	v20 =	vmul.f32 v23, v20;
	v13 =	vmul.f32 v19, v13;
	v4 =	vand.u32 $0x7F, v4;
	v23 =	vld.idx.msk [tilespmem:v38+s11+$0x0], $0xffff  }
0x196: {  	v22 =	vmul.f32 v25, v22;
	v19 =	vor.u32 v2, v5;
	v5 =	vmul.f32 v30, v40;
	v25 =	vld.idx.msk [tilespmem:v38+s12+$0x0], $0xffff  }
0x197: {  	v24 =	vmul.f32 v26, v24;
	v27 =	vmul.f32 v27, v36;
	v30 =	vor.u32 v2, v4;
	v18 =	vld.idx.msk [tilespmem:v18+s12+$0x0], $0xffff  }
0x198: {  	v8 =	vadd.f32 v6, v8;
	v16 =	vadd.f32 v5, v16;
	v26 =	vmul.f32 v31, v41;
	v4 =	vld.idx.msk [tilespmem:v34+s11+$0x0], $0xffff  }
0x199: {  	v15 =	vadd.f32 v24, v15;
	v24 =	vmul.f32 v29, v32;
	v14 =	vadd.f32 v27, v14;
	v6 =	vld.idx.msk [tilespmem:v34+s12+$0x0], $0xffff  }
0x19a: {  	v8 =	vadd.f32 v7, v8;
	v16 =	vadd.f32 v26, v16;
	v10 =	vmul.f32 v10, v9;
	v5 =	vld.idx.msk [tilespmem:v35+s11+$0x0], $0xffff  }
0x19b: {  	v21 =	vmul.f32 v28, v21;
	v15 =	vadd.f32 v22, v15;
	v14 =	vadd.f32 v24, v14;
	v7 =	vld.idx.msk [tilespmem:v35+s12+$0x0], $0xffff  }
0x19c: {  	v8 =	vadd.f32 v12, v8;
	v16 =	vadd.f32 v10, v16;
	v22 =	vmul.f32 v25, v23;
	v9 =	vld.idx.msk [tilespmem:v37+s11+$0x0], $0xffff  }
0x19d: {  	v15 =	vadd.f32 v20, v15;
	v14 =	vadd.f32 v21, v14;
	v11 =	vmul.f32 v18, v11;
	v12 =	vld.idx.msk [tilespmem:v37+s12+$0x0], $0xffff  }
0x19e: {  	v8 =	vadd.f32 v42, v8;
	v18 =	vand.u32 $0x7F, v17;
	v16 =	vadd.f32 v22, v16;
	v10 =	vld.idx.msk [tilespmem:v39+s11+$0x0], $0xffff  }
0x19f: {  	v15 =	vadd.f32 v13, v15;
	v21 =	vor.u32 v2, v18;
	v14 =	vadd.f32 v11, v14;
	v17 =	vld.idx.msk [tilespmem:v39+s12+$0x0], $0xffff  }
0x1a0: {  	s4 =	sadd.s32 $0xE, s17;
	v11 =	vand.u32 $0x7F, v43;
	v13 =	vld.idx.msk [tilespmem:v19+s11+$0x0], $0xffff  }
0x1a1: {  	s5 =	sadd.s32 $0xA, s17;
	v18 =	vadd.s32 s4, v0;
	v11 =	vor.u32 v2, v11;
	v19 =	vld.idx.msk [tilespmem:v19+s12+$0x0], $0xffff  }
0x1a2: {  	v22 =	vadd.s32 s5, v0;
	v18 =	vand.u32 $0x7F, v18;
	v20 =	vld.idx.msk [tilespmem:v30+s11+$0x0], $0xffff  }
0x1a3: {  	s4 =	sadd.s32 $0x6, s17;
	v24 =	vand.u32 $0x7F, v22;
	v18 =	vor.u32 v2, v18;
	v23 =	vld.idx.msk [tilespmem:v30+s12+$0x0], $0xffff  }
0x1a4: {  	v25 =	vadd.s32 s4, v0;
	v28 =	vor.u32 v2, v24;
	v22 =	vld.idx.msk [tilespmem:v21+s11+$0x0], $0xffff  }
.Ltmp8:
0x1a5: {  	s4 =	sadd.s32 $0x2, s17;
	v26 =	vand.u32 $0x7F, v25;
	v25 =	vld.idx.msk [tilespmem:v21+s12+$0x0], $0xffff;
	(pc) =	sbr.rel @p0 .LBB2_18-.Ltmp8, $4  }
0x1a6: {  	v29 =	vor.u32 v2, v26;
	v21 =	vadd.s32 s4, v0;
	v24 =	vld.idx.msk [tilespmem:v11+s11+$0x0], $0xffff  }
0x1a7: {  	s4 =	sadd.s32 $0x1, s17;
	v21 =	vand.u32 $0x7F, v21;
	v26 =	vld.idx.msk [tilespmem:v11+s12+$0x0], $0xffff  }
0x1a8: {  	v30 =	vadd.s32 s4, v0;
	v27 =	vor.u32 v2, v21;
	v11 =	vld.idx.msk [tilespmem:v18+s11+$0x0], $0xffff  }
0x1a9: {  	s19 =	sadd.s32 $0x5, s15;
	s17 =	sadd.s32 $0x10, s17;
	v30 =	vand.u32 $0x7F, v30;
	v21 =	vld.idx.msk [tilespmem:v28+s11+$0x0], $0xffff  }
0x1aa: {  	_ =	sdelay $0x3  }
0x1ab: {  	v28 =	vld.idx.msk [tilespmem:v28+s12+$0x0], $0xffff  }
0x1ac: {  	v3 =	vor.u32 v2, v30;
	v39 =	vadd.s32 s19, v0;
	v31 =	vld.idx.msk [tilespmem:v29+s11+$0x0], $0xffff  }
0x1ad: {  	s4 =	sadd.s32 $0x9, s15;
	v40 =	vld.idx.msk [tilespmem:v29+s12+$0x0], $0xffff;
	v30 =	vand.u32 $0x7F, v39  }
0x1ae: {  	v33 =	vld.idx.msk [tilespmem:v27+s11+$0x0], $0xffff;
	v32 =	vadd.s32 s4, v0;
	v30 =	vor.u32 v2, v30  }
0x1af: {  	s31 =	sadd.s32 $0xD, s15;
	v41 =	vld.idx.msk [tilespmem:v27+s12+$0x0], $0xffff;
	v32 =	vand.u32 $0x7F, v32  }
0x1b0: {  	v18 =	vld.idx.msk [tilespmem:v18+s12+$0x0], $0xffff;
	v34 =	vadd.s32 s31, v0;
	v32 =	vor.u32 v2, v32  }
0x1b1: {  	v34 =	vand.u32 $0x7F, v34;
	v35 =	vld.idx.msk [tilespmem:v3+s11+$0x0], $0xffff  }
0x1b2: {  	v2 =	vor.u32 v2, v34;
	v3 =	vld.idx.msk [tilespmem:v3+s12+$0x0], $0xffff  }
0x1b3: {  	v4 =	vmul.f32 v6, v4;
	v9 =	vmul.f32 v12, v9;
	v42 =	vld.idx.msk [tilespmem:v30+s11+$0x0], $0xffff  }
0x1b4: {  	v5 =	vmul.f32 v7, v5;
	v44 =	vmul.f32 v17, v10;
	v43 =	vld.idx.msk [tilespmem:v30+s12+$0x0], $0xffff  }
0x1b5: {  	v47 =	vmul.f32 v23, v20;
	v13 =	vmul.f32 v19, v13;
	v45 =	vld.idx.msk [tilespmem:v32+s11+$0x0], $0xffff  }
0x1b6: {  	v49 =	vmul.f32 v25, v22;
	v51 =	vmul.f32 v26, v24;
	v46 =	vld.idx.msk [tilespmem:v32+s12+$0x0], $0xffff  }
0x1b7: {  	v50 =	vmul.f32 v41, v33;
	v48 =	vld.idx.msk [tilespmem:v2+s11+$0x0], $0xffff;
	v3 =	vmul.f32 v3, v35  }
0x1b8: {  	v4 =	vadd.f32 v4, v8;
	v53 =	vadd.f32 v51, v15;
	v54 =	vmul.f32 v40, v31;
	v2 =	vld.idx.msk [tilespmem:v2+s12+$0x0], $0xffff  }
0x1b9: {  	v52 =	vadd.f32 v50, v14;
	v3 =	vadd.f32 v3, v16;
	v6 =	vmul.f32 v43, v42  }
0x1ba: {  	v4 =	vadd.f32 v44, v4;
	v58 =	vmul.f32 v28, v21;
	v57 =	vadd.f32 v49, v53  }
0x1bb: {  	v56 =	vadd.f32 v54, v52;
	v55 =	vmul.f32 v46, v45;
	v3 =	vadd.f32 v6, v3  }
0x1bc: {  	v61 =	vmul.f32 v18, v11;
	v4 =	vadd.f32 v9, v4;
	v60 =	vadd.f32 v47, v57  }
0x1bd: {  	v59 =	vadd.f32 v58, v56;
	v2 =	vmul.f32 v2, v48;
	v3 =	vadd.f32 v55, v3  }
0x1be: {  	v4 =	vadd.f32 v5, v4;
	v62 =	vadd.f32 v13, v60  }
0x1bf: {  	v2 =	vadd.f32 v2, v3;
	v3 =	vadd.f32 v61, v59;
	_ =	sdelay $0x1  }
0x1c0: {  	v2 =	vadd.f32 v2, v4;
	v3 =	vadd.f32 v62, v3;
	_ =	sdelay $0x1  }
0x1c1: {  	v2 =	vadd.f32 v3, v2;
	_ =	sdelay $0x1  }
0x1c2: {  	v3 =	vand.u32 $0x7FFFFFFF, v2  }
0x1c3: {  	v3 =	vsub.f32 $0.0e+00, v3;
	_ =	sdelay $0x1  }
0x1c4: {  	v3 =	vmul.f32 $1.442695020e+00, v3;
	_ =	sdelay $0x1  }
0x1c5: {  	(erf) = vpow2.f32 v3;
	_ =	sdelay $0x8  }
0x1c6: {  	v3 =	vpop (erf)  }
0x1c7: {  	v63 =	vadd.f32 $1.000000000e+00, v3;
	_ =	sdelay $0x1  }
0x1c8: {  	(erf) = vrcp.f32 v63;
	_ =	sdelay $0x6  }
0x1c9: {  	s1 =	sadd.s32 $0x1, s1  }
0x1ca: {  	p0 =	sne.s32 s1, $0x5  }
.Ltmp9:
0x1cb: {  	v4 =	vpop (erf);
	(pc) =	sbr.rel @p0 .LBB2_17-.Ltmp9, $4  }
0x1cc: {  	v3 =	vmul.f32 v4, v3  }
0x1cd: {  	vm0 =	vge.f32 v2, $0.0e+00  }
0x1ce: {  	v2 =	vsel vm0, v4, v3  }
0x1cf: {  	[tilespmem:s13+$0x19670] =	vst v2  }
0x1d0: {  	_ =	swait.ge [sflag:s23], $0x2800  }
0x1d1: {  	[sflag:s23] =	ssyncset.done $0x0  }
0x1d2: {  	[sflag:s23] =	ssyncadd.s32 $0xFFFFD800  }
0x1d3: {  	_ =	swait.ge [sflag:s24], $0x2800  }
0x1d4: {  	[sflag:s24] =	ssyncset.done $0x0  }
0x1d5: {  	s0 =	simm.s32 $0x0;
	s1 =	simm.s32 $0x0;
	[sflag:s24] =	ssyncadd.s32 $0xFFFFD800  }
.LBB2_21:
0x1d6: {  	s13 =	sshll.u32 s1, $0x4  }
0x1d7: {  	s5 =	simm.s32 $0xF;
	v2 =	vmov s13  }
0x1d8: {  	s9 =	simm.s32 $0xB;
	v9 =	vadd.s32 s5, v0;
	v2 =	vshll.u32 v2, $0x7  }
0x1d9: {  	v10 =	vadd.s32 s9, v0;
	v9 =	vand.u32 $0x7F, v9;
	v2 =	vor.u32 v1, v2  }
0x1da: {  	v10 =	vand.u32 $0x7F, v10;
	v14 =	vor.u32 v2, v9  }
0x1db: {  	s4 =	simm.s32 $0xC;
	v15 =	vor.u32 v2, v10  }
0x1dc: {  	s30 =	simm.s32 $0x8;
	v4 =	vadd.s32 s4, v0;
	v3 =	vor.u32 v0, v2  }
0x1dd: {  	v6 =	vadd.s32 s30, v0;
	v4 =	vand.u32 $0x7F, v4;
	v5 =	vor.u32 s0, v3  }
0x1de: {  	s31 =	simm.s32 $0x4;
	v7 =	vor.u32 v2, v4;
	v4 =	vand.u32 $0x7F, v6  }
0x1df: {  	v6 =	vadd.s32 s31, v0;
	v8 =	vor.u32 v2, v4;
	v19 =	vld.idx.msk [tilespmem:v14+s16+$0x0], $0xffff  }
0x1e0: {  	v6 =	vand.u32 $0x7F, v6;
	v20 =	vld.idx.msk [tilespmem:v15+s14+$0x0], $0xffff  }
0x1e1: {  	v11 =	vor.u32 v2, v6;
	v23 =	vld.idx.msk [tilespmem:v15+s16+$0x0], $0xffff  }
0x1e2: {  	v4 =	vld.idx.msk [tilespmem:v5+s14+$0x0], $0xffff  }
0x1e3: {  	s15 =	simm.s32 $0x7;
	v6 =	vld.idx.msk [tilespmem:v5+s16+$0x0], $0xffff  }
0x1e4: {  	v13 =	vadd.s32 s15, v0;
	v9 =	vld.idx.msk [tilespmem:v8+s14+$0x0], $0xffff  }
0x1e5: {  	s17 =	simm.s32 $0x3;
	v12 =	vld.idx.msk [tilespmem:v8+s16+$0x0], $0xffff;
	v8 =	vand.u32 $0x7F, v13  }
0x1e6: {  	v13 =	vadd.s32 s17, v0;
	v10 =	vld.idx.msk [tilespmem:v11+s14+$0x0], $0xffff;
	v8 =	vor.u32 v2, v8  }
0x1e7: {  	s19 =	simm.s32 $0xE;
	v17 =	vld.idx.msk [tilespmem:v11+s16+$0x0], $0xffff;
	v11 =	vand.u32 $0x7F, v13  }
0x1e8: {  	s5 =	simm.s32 $0xA;
	v16 =	vadd.s32 s19, v0;
	v5 =	vld.idx.msk [tilespmem:v7+s14+$0x0], $0xffff;
	v11 =	vor.u32 v2, v11  }
0x1e9: {  	v16 =	vand.u32 $0x7F, v16;
	v13 =	vld.idx.msk [tilespmem:v14+s14+$0x0], $0xffff;
	v14 =	vadd.s32 s5, v0  }
0x1ea: {  	s28 =	simm.s32 $0x6;
	v18 =	vor.u32 v2, v16;
	v7 =	vld.idx.msk [tilespmem:v7+s16+$0x0], $0xffff;
	v14 =	vand.u32 $0x7F, v14  }
0x1eb: {  	v28 =	vor.u32 v2, v14;
	v14 =	vadd.s32 s28, v0;
	v22 =	vld.idx.msk [tilespmem:v8+s14+$0x0], $0xffff  }
0x1ec: {  	s30 =	simm.s32 $0x2;
	v14 =	vand.u32 $0x7F, v14;
	v25 =	vld.idx.msk [tilespmem:v8+s16+$0x0], $0xffff  }
0x1ed: {  	s31 =	simm.s32 $0x1;
	v15 =	vadd.s32 s30, v0;
	v29 =	vor.u32 v2, v14;
	v24 =	vld.idx.msk [tilespmem:v11+s14+$0x0], $0xffff  }
0x1ee: {  	v16 =	vadd.s32 s31, v0;
	v15 =	vand.u32 $0x7F, v15;
	v26 =	vld.idx.msk [tilespmem:v11+s16+$0x0], $0xffff  }
0x1ef: {  	v30 =	vand.u32 $0x7F, v16;
	v16 =	vimm.f32 $0.0e+00;
	v27 =	vor.u32 v2, v15;
	v11 =	vld.idx.msk [tilespmem:v18+s14+$0x0], $0xffff  }
0x1f0: {  	s19 =	simm.s32 $0x5;
	s15 =	simm.s32 $0x0;
	s17 =	simm.s32 $0x10;
	v15 =	vimm.f32 $0.0e+00;
	v14 =	vimm.f32 $0.0e+00;
	v8 =	vimm.f32 $0.0e+00;
	v21 =	vld.idx.msk [tilespmem:v28+s14+$0x0], $0xffff  }
.LBB2_22:
0x1f1: {  	p0 =	slt.u32 s17, $0x70;
	v30 =	vor.u32 v2, v30;
	v31 =	vadd.s32 s19, v0;
	v28 =	vld.idx.msk [tilespmem:v28+s16+$0x0], $0xffff  }
0x1f2: {  	s4 =	sadd.s32 $0x9, s15;
	v31 =	vand.u32 $0x7F, v31;
	v32 =	vld.idx.msk [tilespmem:v29+s14+$0x0], $0xffff  }
0x1f3: {  	s5 =	sadd.s32 $0xC, s17;
	v33 =	vadd.s32 s4, v0;
	v31 =	vor.u32 v2, v31;
	v29 =	vld.idx.msk [tilespmem:v29+s16+$0x0], $0xffff  }
0x1f4: {  	v34 =	vor.u32 s17, v3;
	s4 =	sadd.s32 $0x8, s17;
	v35 =	vadd.s32 s5, v0;
	s5 =	sadd.s32 $0xD, s15;
	s15 =	smov.u32 s17;
	v33 =	vand.u32 $0x7F, v33;
	v36 =	vld.idx.msk [tilespmem:v27+s14+$0x0], $0xffff  }
0x1f5: {  	s9 =	sadd.s32 $0x4, s17;
	v37 =	vadd.s32 s4, v0;
	v38 =	vadd.s32 s5, v0;
	v33 =	vor.u32 v2, v33;
	v27 =	vld.idx.msk [tilespmem:v27+s16+$0x0], $0xffff  }
0x1f6: {  	v39 =	vadd.s32 s9, v0;
	v35 =	vand.u32 $0x7F, v35;
	v38 =	vand.u32 $0x7F, v38;
	v40 =	vld.idx.msk [tilespmem:v30+s14+$0x0], $0xffff  }
0x1f7: {  	v39 =	vand.u32 $0x7F, v39;
	v37 =	vand.u32 $0x7F, v37;
	v38 =	vor.u32 v2, v38;
	v30 =	vld.idx.msk [tilespmem:v30+s16+$0x0], $0xffff  }
0x1f8: {  	v6 =	vmul.f32 v6, v4;
	v35 =	vor.u32 v2, v35;
	v37 =	vor.u32 v2, v37;
	v41 =	vld.idx.msk [tilespmem:v31+s14+$0x0], $0xffff  }
0x1f9: {  	v12 =	vmul.f32 v12, v9;
	v42 =	vmul.f32 v7, v5;
	s4 =	sadd.s32 $0xB, s17;
	s5 =	sadd.s32 $0xF, s17;
	v39 =	vor.u32 v2, v39;
	v31 =	vld.idx.msk [tilespmem:v31+s16+$0x0], $0xffff  }
0x1fa: {  	s19 =	sadd.s32 $0x7, s17;
	v7 =	vmul.f32 v17, v10;
	s9 =	sadd.s32 $0x3, s17;
	v4 =	vadd.s32 s4, v0;
	v5 =	vadd.s32 s5, v0;
	v9 =	vld.idx.msk [tilespmem:v33+s14+$0x0], $0xffff  }
0x1fb: {  	v17 =	vadd.s32 s19, v0;
	v43 =	vadd.s32 s9, v0;
	v5 =	vand.u32 $0x7F, v5;
	v10 =	vld.idx.msk [tilespmem:v33+s16+$0x0], $0xffff  }
0x1fc: {  	v20 =	vmul.f32 v23, v20;
	v13 =	vmul.f32 v19, v13;
	v4 =	vand.u32 $0x7F, v4;
	v23 =	vld.idx.msk [tilespmem:v38+s14+$0x0], $0xffff  }
0x1fd: {  	v22 =	vmul.f32 v25, v22;
	v19 =	vor.u32 v2, v5;
	v5 =	vmul.f32 v30, v40;
	v25 =	vld.idx.msk [tilespmem:v38+s16+$0x0], $0xffff  }
0x1fe: {  	v24 =	vmul.f32 v26, v24;
	v27 =	vmul.f32 v27, v36;
	v30 =	vor.u32 v2, v4;
	v18 =	vld.idx.msk [tilespmem:v18+s16+$0x0], $0xffff  }
0x1ff: {  	v8 =	vadd.f32 v6, v8;
	v16 =	vadd.f32 v5, v16;
	v26 =	vmul.f32 v31, v41;
	v4 =	vld.idx.msk [tilespmem:v34+s14+$0x0], $0xffff  }
0x200: {  	v15 =	vadd.f32 v24, v15;
	v24 =	vmul.f32 v29, v32;
	v14 =	vadd.f32 v27, v14;
	v6 =	vld.idx.msk [tilespmem:v34+s16+$0x0], $0xffff  }
0x201: {  	v8 =	vadd.f32 v7, v8;
	v16 =	vadd.f32 v26, v16;
	v10 =	vmul.f32 v10, v9;
	v5 =	vld.idx.msk [tilespmem:v35+s14+$0x0], $0xffff  }
0x202: {  	v21 =	vmul.f32 v28, v21;
	v15 =	vadd.f32 v22, v15;
	v14 =	vadd.f32 v24, v14;
	v7 =	vld.idx.msk [tilespmem:v35+s16+$0x0], $0xffff  }
0x203: {  	v8 =	vadd.f32 v12, v8;
	v16 =	vadd.f32 v10, v16;
	v22 =	vmul.f32 v25, v23;
	v9 =	vld.idx.msk [tilespmem:v37+s14+$0x0], $0xffff  }
0x204: {  	v15 =	vadd.f32 v20, v15;
	v14 =	vadd.f32 v21, v14;
	v11 =	vmul.f32 v18, v11;
	v12 =	vld.idx.msk [tilespmem:v37+s16+$0x0], $0xffff  }
0x205: {  	v8 =	vadd.f32 v42, v8;
	v18 =	vand.u32 $0x7F, v17;
	v16 =	vadd.f32 v22, v16;
	v10 =	vld.idx.msk [tilespmem:v39+s14+$0x0], $0xffff  }
0x206: {  	v15 =	vadd.f32 v13, v15;
	v21 =	vor.u32 v2, v18;
	v14 =	vadd.f32 v11, v14;
	v17 =	vld.idx.msk [tilespmem:v39+s16+$0x0], $0xffff  }
0x207: {  	s4 =	sadd.s32 $0xE, s17;
	v11 =	vand.u32 $0x7F, v43;
	v13 =	vld.idx.msk [tilespmem:v19+s14+$0x0], $0xffff  }
0x208: {  	s5 =	sadd.s32 $0xA, s17;
	v18 =	vadd.s32 s4, v0;
	v11 =	vor.u32 v2, v11;
	v19 =	vld.idx.msk [tilespmem:v19+s16+$0x0], $0xffff  }
0x209: {  	v22 =	vadd.s32 s5, v0;
	v18 =	vand.u32 $0x7F, v18;
	v20 =	vld.idx.msk [tilespmem:v30+s14+$0x0], $0xffff  }
0x20a: {  	s4 =	sadd.s32 $0x6, s17;
	v24 =	vand.u32 $0x7F, v22;
	v18 =	vor.u32 v2, v18;
	v23 =	vld.idx.msk [tilespmem:v30+s16+$0x0], $0xffff  }
0x20b: {  	v25 =	vadd.s32 s4, v0;
	v28 =	vor.u32 v2, v24;
	v22 =	vld.idx.msk [tilespmem:v21+s14+$0x0], $0xffff  }
.Ltmp10:
0x20c: {  	s4 =	sadd.s32 $0x2, s17;
	v26 =	vand.u32 $0x7F, v25;
	v25 =	vld.idx.msk [tilespmem:v21+s16+$0x0], $0xffff;
	(pc) =	sbr.rel @p0 .LBB2_22-.Ltmp10, $4  }
0x20d: {  	v29 =	vor.u32 v2, v26;
	v21 =	vadd.s32 s4, v0;
	v24 =	vld.idx.msk [tilespmem:v11+s14+$0x0], $0xffff  }
0x20e: {  	s4 =	sadd.s32 $0x1, s17;
	v21 =	vand.u32 $0x7F, v21;
	v26 =	vld.idx.msk [tilespmem:v11+s16+$0x0], $0xffff  }
0x20f: {  	v30 =	vadd.s32 s4, v0;
	v27 =	vor.u32 v2, v21;
	v11 =	vld.idx.msk [tilespmem:v18+s14+$0x0], $0xffff  }
0x210: {  	s19 =	sadd.s32 $0x5, s15;
	s17 =	sadd.s32 $0x10, s17;
	v30 =	vand.u32 $0x7F, v30;
	v21 =	vld.idx.msk [tilespmem:v28+s14+$0x0], $0xffff  }
0x211: {  	_ =	sdelay $0x3  }
0x212: {  	v28 =	vld.idx.msk [tilespmem:v28+s16+$0x0], $0xffff  }
0x213: {  	v3 =	vor.u32 v2, v30;
	v39 =	vadd.s32 s19, v0;
	v31 =	vld.idx.msk [tilespmem:v29+s14+$0x0], $0xffff  }
0x214: {  	s4 =	sadd.s32 $0x9, s15;
	v40 =	vld.idx.msk [tilespmem:v29+s16+$0x0], $0xffff;
	v30 =	vand.u32 $0x7F, v39  }
0x215: {  	v33 =	vld.idx.msk [tilespmem:v27+s14+$0x0], $0xffff;
	v32 =	vadd.s32 s4, v0;
	v30 =	vor.u32 v2, v30  }
0x216: {  	s31 =	sadd.s32 $0xD, s15;
	v41 =	vld.idx.msk [tilespmem:v27+s16+$0x0], $0xffff;
	v32 =	vand.u32 $0x7F, v32  }
0x217: {  	v18 =	vld.idx.msk [tilespmem:v18+s16+$0x0], $0xffff;
	v34 =	vadd.s32 s31, v0;
	v32 =	vor.u32 v2, v32  }
0x218: {  	v34 =	vand.u32 $0x7F, v34;
	v35 =	vld.idx.msk [tilespmem:v3+s14+$0x0], $0xffff  }
0x219: {  	v2 =	vor.u32 v2, v34;
	v3 =	vld.idx.msk [tilespmem:v3+s16+$0x0], $0xffff  }
0x21a: {  	v4 =	vmul.f32 v6, v4;
	v9 =	vmul.f32 v12, v9;
	v42 =	vld.idx.msk [tilespmem:v30+s14+$0x0], $0xffff  }
0x21b: {  	v5 =	vmul.f32 v7, v5;
	v44 =	vmul.f32 v17, v10;
	v43 =	vld.idx.msk [tilespmem:v30+s16+$0x0], $0xffff  }
0x21c: {  	v47 =	vmul.f32 v23, v20;
	v13 =	vmul.f32 v19, v13;
	v45 =	vld.idx.msk [tilespmem:v32+s14+$0x0], $0xffff  }
0x21d: {  	v49 =	vmul.f32 v25, v22;
	v51 =	vmul.f32 v26, v24;
	v46 =	vld.idx.msk [tilespmem:v32+s16+$0x0], $0xffff  }
0x21e: {  	v50 =	vmul.f32 v41, v33;
	v48 =	vld.idx.msk [tilespmem:v2+s14+$0x0], $0xffff;
	v3 =	vmul.f32 v3, v35  }
0x21f: {  	v4 =	vadd.f32 v4, v8;
	v53 =	vadd.f32 v51, v15;
	v54 =	vmul.f32 v40, v31;
	v2 =	vld.idx.msk [tilespmem:v2+s16+$0x0], $0xffff  }
0x220: {  	v52 =	vadd.f32 v50, v14;
	v3 =	vadd.f32 v3, v16;
	v6 =	vmul.f32 v43, v42  }
0x221: {  	v4 =	vadd.f32 v44, v4;
	v58 =	vmul.f32 v28, v21;
	v57 =	vadd.f32 v49, v53  }
0x222: {  	v56 =	vadd.f32 v54, v52;
	v55 =	vmul.f32 v46, v45;
	v3 =	vadd.f32 v6, v3  }
0x223: {  	v61 =	vmul.f32 v18, v11;
	v4 =	vadd.f32 v9, v4;
	v60 =	vadd.f32 v47, v57  }
0x224: {  	v59 =	vadd.f32 v58, v56;
	v2 =	vmul.f32 v2, v48;
	v3 =	vadd.f32 v55, v3  }
0x225: {  	v4 =	vadd.f32 v5, v4;
	v62 =	vadd.f32 v13, v60  }
0x226: {  	v2 =	vadd.f32 v2, v3;
	v3 =	vadd.f32 v61, v59;
	_ =	sdelay $0x1  }
0x227: {  	v2 =	vadd.f32 v2, v4;
	v3 =	vadd.f32 v62, v3;
	_ =	sdelay $0x1  }
0x228: {  	v2 =	vadd.f32 v3, v2;
	_ =	sdelay $0x1  }
0x229: {  	v3 =	vand.u32 $0x7FFFFFFF, v2  }
0x22a: {  	v3 =	vsub.f32 $0.0e+00, v3;
	_ =	sdelay $0x1  }
0x22b: {  	v3 =	vmul.f32 $1.442695020e+00, v3;
	_ =	sdelay $0x1  }
0x22c: {  	(erf) = vpow2.f32 v3;
	_ =	sdelay $0x8  }
0x22d: {  	v3 =	vpop (erf)  }
0x22e: {  	v63 =	vadd.f32 $1.000000000e+00, v3;
	_ =	sdelay $0x1  }
0x22f: {  	(erf) = vrcp.f32 v63;
	_ =	sdelay $0x6  }
0x230: {  	s1 =	sadd.s32 $0x1, s1  }
0x231: {  	p0 =	sne.s32 s1, $0x5  }
.Ltmp11:
0x232: {  	v4 =	vpop (erf);
	(pc) =	sbr.rel @p0 .LBB2_21-.Ltmp11, $4  }
0x233: {  	v3 =	vmul.f32 v4, v3  }
0x234: {  	vm0 =	vge.f32 v2, $0.0e+00  }
0x235: {  	v2 =	vsel vm0, v4, v3  }
0x236: {  	[tilespmem:s13+$0x196C0] =	vst v2  }
0x237: {  	s29 =	sadd.s32 $0x1, s29  }
0x238: {  	p0 =	sne.s32 s29, s7  }
.Ltmp12:
0x239: {  	s0 =	simm.s32 $0x17000;
	(pc) =	sbr.rel @p0 .LBB2_1-.Ltmp12, $4  }
0x23a: {  	[hbm4b:s6+s3] =	stream.linear.scatter [tilespmem:s0], [sflag:$0x7], $0x2710, $0x38;
	[tilespmem:$0x19780] =	vst v63  }
0x23b: {  	_ =	swait.ge [sflag:s8], $0x2710  }
0x23c: {  	[sflag:s8] =	ssyncset.done $0x0  }
0x23d: {  	[sflag:s8] =	ssyncadd.s32 $0xFFFFD8F0  }
0x23e: {  	_ =	sfence.sel $0x180000  }
0x23f: {  	[bflag:$0x0] =	sbarrier.arrive $0xFFFF  }
0x240: {  	_ =	strace $0x90000047  }
0x241: {  	s0 =	stileid.u32;
	[bflag:$0x2] =	sbarrier.arrive $0xFFFF  }
0x242: {  	p0 =	sne.s32 s0, $0x0;
	s0 =	rddreg [dreg:$0x3]  }
0x243: {  	s0 =	sadd.s32 @!p0 $0x100000, s0  }
0x244: {  	[sflag:s0] =	ssyncadd.tile.s32 @!p0 $0x1;
	_ =	shalt  }
.Lfunc_end2:
_tile_overlayer_lowered:
.L_overlay_start_2:
0x245: {  	(tag) =	ssettag $0x2  }
0x246: {  	s0 =	rddreg [dreg:$0x0];
	s2 =	stileid.u32  }
0x247: {  	s1 =	rddreg [dreg:$0x1];
	p0 =	sne.s32 s2, $0x0  }
0x248: {  	s3 =	rddreg [dreg:$0x2];
	[bflag:$0x3] =	sbarrier.arrive $0xFFFF;
	s2 =	simm.s32 @!p0 $0x1C07  }
0x249: {  	[timem:s3], [sflag:s2] =	dma.local @!p0 [hbm:s0], s1  }
0x24a: {  	s0 =	simm.s32 @!p0 $0x7  }
0x24b: {  	_ =	swait.ge @!p0 [sflag:s0], s1  }
0x24c: {  	s1 =	ssub.s32 @!p0 $0x0, s1;
	[sflag:s0] =	ssyncset.done @!p0 $0x0  }
0x24d: {  	[sflag:s0] =	ssyncadd.s32 @!p0 s1  }
0x24e: {  	[bflag:$0x3] =	sbarrier.arrive $0xFFFF  }
0x24f: {  	_ =	shalt  }

</sc_bundles>
